<compile_context>
chip_gen: v7x
topology: tpu7x:2x2x1
jax: 0.10.2.dev20260603
libtpu: 0.0.44.dev20260713+nightly
codegen_flags: <defaults>
</compile_context>

<pallas_src>
import jax
import jax.numpy as jnp
from jax import lax
from jax.experimental import pallas as pl
from jax.experimental.pallas import tpu as pltpu
from jax.experimental.pallas import tpu_sc as plsc

VOCAB = 100000
MAX_LEN = 200
EMBED_DIM = 128
BATCH = 4096

NUM_CORES = 2
NUM_SUBCORES = 16
NUM_WORKERS = NUM_CORES * NUM_SUBCORES
TOTAL_ROWS = BATCH * MAX_LEN
ROWS_PER_WORKER = TOTAL_ROWS // NUM_WORKERS
CHUNK = MAX_LEN
NUM_CHUNKS = ROWS_PER_WORKER // CHUNK
G0 = 128
G1 = CHUNK - G0
NBUF = 3
LANES = 16


def _sc_body(x_hbm, tok_hbm, pos_hbm, out_hbm, idx_v, rows_v, pos_v,
             sem_g, sem_o):
    wid = lax.axis_index("s") * NUM_CORES + lax.axis_index("c")
    base_row = pl.multiple_of(wid * ROWS_PER_WORKER, ROWS_PER_WORKER)

    pltpu.sync_copy(x_hbm.at[pl.ds(base_row, ROWS_PER_WORKER)], idx_v)
    pltpu.sync_copy(pos_hbm, pos_v)

    def gather(c, b):
        off = pl.multiple_of(c * CHUNK, 8)
        return (
            pltpu.make_async_copy(
                tok_hbm.at[idx_v.at[pl.ds(off, G0)]],
                rows_v.at[b].at[pl.ds(0, G0)], sem_g),
            pltpu.make_async_copy(
                tok_hbm.at[idx_v.at[pl.ds(off + G0, G1)]],
                rows_v.at[b].at[pl.ds(G0, G1)], sem_g),
        )

    def gather_start(c, b):
        cp0, cp1 = gather(c, b)
        cp0.start()
        cp1.start()

    def gather_wait(c, b):
        cp0, cp1 = gather(c, b)
        cp0.wait()
        cp1.wait()

    def outcp(c, b):
        return pltpu.make_async_copy(
            rows_v.at[b], out_hbm.at[pl.ds(base_row + c * CHUNK, CHUNK)],
            sem_o)

    def add_chunk(b):
        def add_row(i, _):
            for j in range(EMBED_DIM // LANES):
                sl = pl.ds(j * LANES, LANES)
                plsc.addupdate(rows_v.at[b, i, sl], pos_v[i, sl])
            return 0

        lax.fori_loop(0, CHUNK, add_row, 0)

    gather_start(0, 0)

    def ring_body(t, _):
        for k in range(NBUF):
            c = NBUF * t + k
            nb = (k + 1) % NBUF

            @pl.when(c >= NBUF - 1)
            def _():
                outcp(c - (NBUF - 1), nb).wait()

            gather_start(c + 1, nb)
            gather_wait(c, k)
            add_chunk(k)
            outcp(c, k).start()
        return 0

    body_chunks = NUM_CHUNKS - 2
    lax.fori_loop(0, body_chunks // NBUF, ring_body, 0)

    outcp(NUM_CHUNKS - 4, 1).wait()
    gather_start(NUM_CHUNKS - 1, 1)
    gather_wait(NUM_CHUNKS - 2, 0)
    add_chunk(0)
    outcp(NUM_CHUNKS - 2, 0).start()

    outcp(NUM_CHUNKS - 3, 2).wait()
    gather_wait(NUM_CHUNKS - 1, 1)
    add_chunk(1)
    outcp(NUM_CHUNKS - 1, 1).start()

    outcp(NUM_CHUNKS - 2, 0).wait()
    outcp(NUM_CHUNKS - 1, 1).wait()


@jax.jit
def _embed(x1d, token_table, pos_table):
    mesh = plsc.VectorSubcoreMesh(
        core_axis_name="c", subcore_axis_name="s",
        num_cores=NUM_CORES, num_subcores=NUM_SUBCORES)
    fn = pl.kernel(
        _sc_body,
        out_type=jax.ShapeDtypeStruct((TOTAL_ROWS, EMBED_DIM), jnp.float32),
        mesh=mesh,
        scratch_types=[
            pltpu.VMEM((ROWS_PER_WORKER,), jnp.int32),
            pltpu.VMEM((NBUF, CHUNK, EMBED_DIM), jnp.float32),
            pltpu.VMEM((MAX_LEN, EMBED_DIM), jnp.float32),
            pltpu.SemaphoreType.DMA,
            pltpu.SemaphoreType.DMA,
        ],
    )
    return fn(x1d, token_table, pos_table)


def kernel(x, token_table, pos_table):
    x1d = x.reshape(TOTAL_ROWS).astype(jnp.int32)
    out = _embed(x1d, token_table, pos_table)
    return out.reshape(BATCH, MAX_LEN, EMBED_DIM)

# --- scband reference (transcript-rebuilt; emitter-appended) ---
"""Pipeline reference for scband-token-and-position-embedding-6794638262536 (READ-ONLY COPY).

The authoritative reference and input builder live on the scoring server;
editing this copy changes nothing except your own understanding.
"""

import jax, jax.numpy as jnp
import numpy as np

VOCAB = 100000
MAX_LEN = 200
EMBED_DIM = 128
BATCH = 4096


def setup_inputs(seed: int = 0) -> dict:
    key = jax.random.key(seed)
    k1, k2, k3 = jax.random.split(key, 3)
    x = jax.random.randint(k1, (BATCH, MAX_LEN), 0, VOCAB, dtype=jnp.int64 if jax.config.jax_enable_x64 else jnp.int32)
    token_table = jax.random.normal(k2, (VOCAB, EMBED_DIM), dtype=jnp.float32) * 0.02
    pos_table = jax.random.normal(k3, (MAX_LEN, EMBED_DIM), dtype=jnp.float32) * 0.02
    return {"x": x, "token_table": token_table, "pos_table": pos_table}


def reference(x, token_table, pos_table):
    seq_len = x.shape[-1]
    positions = jnp.arange(seq_len)
    pos_emb = jnp.take(pos_table, positions, axis=0)  # [L, D]
    tok_emb = jnp.take(token_table, x, axis=0)        # [B, L, D]
    return tok_emb + pos_emb[None, :, :]

if __name__ == "__main__":
    import jax
    _d = setup_inputs()
    print(jax.jit(kernel)(*tuple(_d.values())))

</pallas_src>

<mosaic_0001>
#map = affine_map<(d0, d1) -> (0)>
#map1 = affine_map<(d0, d1) -> (0, 0)>
module attributes {stable_mosaic.version = 14 : i64} {
  func.func @_sc_body(%arg0: i32, %arg1: i32, %arg2: memref<819200xi32, #tpu.memory_space<hbm>>, %arg3: memref<100000x128xf32, #tpu.memory_space<hbm>>, %arg4: memref<200x128xf32, #tpu.memory_space<hbm>>, %arg5: memref<819200x128xf32, #tpu.memory_space<hbm>>, %arg6: memref<25600xi32, #tpu.memory_space<vmem>>, %arg7: memref<3x200x128xf32, #tpu.memory_space<vmem>>, %arg8: memref<200x128xf32, #tpu.memory_space<vmem>>, %arg9: memref<!tpu.dma_semaphore, #tpu.memory_space<semaphore_mem>>, %arg10: memref<!tpu.dma_semaphore, #tpu.memory_space<semaphore_mem>>) attributes {dimension_semantics = [#tpu.dimension_semantics<core_parallel>, #tpu.dimension_semantics<subcore_parallel>], iteration_bounds = array<i64: 2, 16>, scalar_prefetch = 0 : i64, scratch_operands = 5 : i64, tpu.core_type = #tpu.core_type<sc_vector_subcore>, window_params = [{transform_indices = #map}, {transform_indices = #map1}, {transform_indices = #map1}, {transform_indices = #map1}]} {
    %mul3A = arith.constant 2 : i32
    %mul3A_0 = arith.muli %arg1, %mul3A : i32
    %add3A = arith.addi %mul3A_0, %arg0 : i32
    %mul3A_1 = arith.constant 25600 : i32
    %mul3A_2 = arith.muli %add3A, %mul3A_1 : i32
    %multiple_of3A = tpu.assume_multiple %mul3A_2, 25600 : i32
    "tpu.region"() ({
      %run_scoped3A = tpu.sem_alloc : memref<!tpu.dma_semaphore, #tpu.memory_space<semaphore_mem>>
      %dma_start3A_223 = tpu.memref_slice %arg2[%multiple_of3A] : memref<819200xi32, #tpu.memory_space<hbm>> -> memref<25600xi32, #tpu.memory_space<hbm>>
      %dma_start3A_224 = tpu.memref_slice %arg2[%multiple_of3A] : memref<819200xi32, #tpu.memory_space<hbm>> -> memref<25600xi32, #tpu.memory_space<hbm>>
      tpu.enqueue_dma source(%dma_start3A_224 : memref<25600xi32, #tpu.memory_space<hbm>>) target(%arg6 : memref<25600xi32, #tpu.memory_space<vmem>>) target_semaphore(%run_scoped3A : memref<!tpu.dma_semaphore, #tpu.memory_space<semaphore_mem>>)
      %dma_wait3A_225 = tpu.memref_slice %arg2[%multiple_of3A] : memref<819200xi32, #tpu.memory_space<hbm>> -> memref<25600xi32, #tpu.memory_space<hbm>>
      %dma_wait3A_226 = tpu.memref_slice %arg2[%multiple_of3A] : memref<819200xi32, #tpu.memory_space<hbm>> -> memref<25600xi32, #tpu.memory_space<hbm>>
      tpu.wait_dma2 semaphore(%run_scoped3A : memref<!tpu.dma_semaphore, #tpu.memory_space<semaphore_mem>>) src(%dma_wait3A_226 : memref<25600xi32, #tpu.memory_space<hbm>>) dst(%arg6 : memref<25600xi32, #tpu.memory_space<vmem>>)
      tpu.yield
    }) : () -> ()
    "tpu.region"() ({
      %run_scoped3A = tpu.sem_alloc : memref<!tpu.dma_semaphore, #tpu.memory_space<semaphore_mem>>
      tpu.enqueue_dma source(%arg4 : memref<200x128xf32, #tpu.memory_space<hbm>>) target(%arg8 : memref<200x128xf32, #tpu.memory_space<vmem>>) target_semaphore(%run_scoped3A : memref<!tpu.dma_semaphore, #tpu.memory_space<semaphore_mem>>)
      tpu.wait_dma2 semaphore(%run_scoped3A : memref<!tpu.dma_semaphore, #tpu.memory_space<semaphore_mem>>) src(%arg4 : memref<200x128xf32, #tpu.memory_space<hbm>>) dst(%arg8 : memref<200x128xf32, #tpu.memory_space<vmem>>)
      tpu.yield
    }) : () -> ()
    %multiple_of3A_3 = arith.constant 0 : i32
    %multiple_of3A_4 = tpu.assume_multiple %multiple_of3A_3, 8 : i32
    %add3A_5 = arith.constant 128 : i32
    %add3A_6 = arith.addi %multiple_of3A_4, %add3A_5 : i32
    %dma_start3A = arith.constant 0 : i32
    %dma_start3A_7 = arith.constant 0 : i32
    %dma_start3A_8 = arith.constant 0 : i32
    %dma_start3A_9 = tpu.memref_slice %arg7[%dma_start3A, %dma_start3A_7, %dma_start3A_8] : memref<3x200x128xf32, #tpu.memory_space<vmem>> -> memref<1x200x128xf32, #tpu.memory_space<vmem>>
    %dma_start3A_10 = tpu.memref_squeeze %dma_start3A_9 : memref<1x200x128xf32, #tpu.memory_space<vmem>> -> memref<200x128xf32, #tpu.memory_space<vmem>>
    %dma_start3A_11 = arith.constant 0 : i32
    %dma_start3A_12 = arith.constant 0 : i32
    %dma_start3A_13 = tpu.memref_slice %dma_start3A_10[%dma_start3A_11, %dma_start3A_12] : memref<200x128xf32, #tpu.memory_space<vmem>> -> memref<128x128xf32, #tpu.memory_space<vmem>>
    %dma_start3A_14 = tpu.memref_slice %arg6[%multiple_of3A_4] : memref<25600xi32, #tpu.memory_space<vmem>> -> memref<128xi32, #tpu.memory_space<vmem>>
    %dma_start3A_15 = arith.constant 0 : i32
    %dma_start3A_16 = arith.constant 0 : i32
    %dma_start3A_17 = tpu.memref_slice %arg3[%dma_start3A_15, %dma_start3A_16] : memref<100000x128xf32, #tpu.memory_space<hbm>> -> memref<100000x128xf32, #tpu.memory_space<hbm>>
    tpu.enqueue_indirect_dma source(%dma_start3A_17 : memref<100000x128xf32, #tpu.memory_space<hbm>>) target(%dma_start3A_13 : memref<128x128xf32, #tpu.memory_space<vmem>>) offsets(%dma_start3A_14 : memref<128xi32, #tpu.memory_space<vmem>>) semaphore(%arg9 : memref<!tpu.dma_semaphore, #tpu.memory_space<semaphore_mem>>)
    %dma_start3A_18 = arith.constant 0 : i32
    %dma_start3A_19 = arith.constant 0 : i32
    %dma_start3A_20 = arith.constant 0 : i32
    %dma_start3A_21 = tpu.memref_slice %arg7[%dma_start3A_18, %dma_start3A_19, %dma_start3A_20] : memref<3x200x128xf32, #tpu.memory_space<vmem>> -> memref<1x200x128xf32, #tpu.memory_space<vmem>>
    %dma_start3A_22 = tpu.memref_squeeze %dma_start3A_21 : memref<1x200x128xf32, #tpu.memory_space<vmem>> -> memref<200x128xf32, #tpu.memory_space<vmem>>
    %dma_start3A_23 = arith.constant 128 : i32
    %dma_start3A_24 = arith.constant 0 : i32
    %dma_start3A_25 = tpu.memref_slice %dma_start3A_22[%dma_start3A_23, %dma_start3A_24] : memref<200x128xf32, #tpu.memory_space<vmem>> -> memref<72x128xf32, #tpu.memory_space<vmem>>
    %dma_start3A_26 = tpu.memref_slice %arg6[%add3A_6] : memref<25600xi32, #tpu.memory_space<vmem>> -> memref<72xi32, #tpu.memory_space<vmem>>
    %dma_start3A_27 = arith.constant 0 : i32
    %dma_start3A_28 = arith.constant 0 : i32
    %dma_start3A_29 = tpu.memref_slice %arg3[%dma_start3A_27, %dma_start3A_28] : memref<100000x128xf32, #tpu.memory_space<hbm>> -> memref<100000x128xf32, #tpu.memory_space<hbm>>
    tpu.enqueue_indirect_dma source(%dma_start3A_29 : memref<100000x128xf32, #tpu.memory_space<hbm>>) target(%dma_start3A_25 : memref<72x128xf32, #tpu.memory_space<vmem>>) offsets(%dma_start3A_26 : memref<72xi32, #tpu.memory_space<vmem>>) semaphore(%arg9 : memref<!tpu.dma_semaphore, #tpu.memory_space<semaphore_mem>>)
    %scan3A = arith.constant 0 : i32
    %scan3A_30 = arith.constant 0 : i32
    %scan3A_31 = arith.constant 42 : i32
    %scan3A_32 = arith.addi %scan3A_30, %scan3A_31 : i32
    %scan3A_33 = arith.constant 1 : i32
    %scan3A_34 = scf.for %scan3A_223 = %scan3A_30 to %scan3A_32 step %scan3A_33 iter_args(%scan3A_224 = %scan3A) -> (i32)  : i32 {
      %mul3A_225 = arith.constant 3 : i32
      %mul3A_226 = arith.muli %mul3A_225, %scan3A_223 : i32
      %add3A_227 = arith.constant 0 : i32
      %add3A_228 = arith.addi %mul3A_226, %add3A_227 : i32
      %ge3A = arith.constant 2 : i32
      %ge3A_229 = arith.cmpi sge, %add3A_228, %ge3A : i32
      %convert_element_type3A = arith.extui %ge3A_229 : i1 to i32
      %cond3A = arith.constant 0 : i32
      %cond3A_230 = arith.cmpi ne, %convert_element_type3A, %cond3A : i32
      scf.if %cond3A_230 {
        %sub3A = arith.constant 2 : i32
        %sub3A_499 = arith.subi %add3A_228, %sub3A : i32
        %mul3A_500 = arith.constant 200 : i32
        %mul3A_501 = arith.muli %sub3A_499, %mul3A_500 : i32
        %add3A_502 = arith.addi %multiple_of3A, %mul3A_501 : i32
        %dma_wait3A_503 = arith.constant 1 : i32
        %dma_wait3A_504 = arith.constant 0 : i32
        %dma_wait3A_505 = arith.constant 0 : i32
        %dma_wait3A_506 = tpu.memref_slice %arg7[%dma_wait3A_503, %dma_wait3A_504, %dma_wait3A_505] : memref<3x200x128xf32, #tpu.memory_space<vmem>> -> memref<1x200x128xf32, #tpu.memory_space<vmem>>
        %dma_wait3A_507 = tpu.memref_squeeze %dma_wait3A_506 : memref<1x200x128xf32, #tpu.memory_space<vmem>> -> memref<200x128xf32, #tpu.memory_space<vmem>>
        %dma_wait3A_508 = arith.constant 0 : i32
        %dma_wait3A_509 = tpu.memref_slice %arg5[%add3A_502, %dma_wait3A_508] : memref<819200x128xf32, #tpu.memory_space<hbm>> -> memref<200x128xf32, #tpu.memory_space<hbm>>
        %dma_wait3A_510 = arith.constant 0 : i32
        %dma_wait3A_511 = tpu.memref_slice %arg5[%add3A_502, %dma_wait3A_510] : memref<819200x128xf32, #tpu.memory_space<hbm>> -> memref<200x128xf32, #tpu.memory_space<hbm>>
        %dma_wait3A_512 = arith.constant 0 : i32
        %dma_wait3A_513 = arith.constant 0 : i32
        %dma_wait3A_514 = tpu.memref_slice %arg7[%dma_wait3A_503, %dma_wait3A_512, %dma_wait3A_513] : memref<3x200x128xf32, #tpu.memory_space<vmem>> -> memref<1x200x128xf32, #tpu.memory_space<vmem>>
        %dma_wait3A_515 = tpu.memref_squeeze %dma_wait3A_514 : memref<1x200x128xf32, #tpu.memory_space<vmem>> -> memref<200x128xf32, #tpu.memory_space<vmem>>
        tpu.wait_dma2 semaphore(%arg10 : memref<!tpu.dma_semaphore, #tpu.memory_space<semaphore_mem>>) src(%dma_wait3A_515 : memref<200x128xf32, #tpu.memory_space<vmem>>) dst(%dma_wait3A_511 : memref<200x128xf32, #tpu.memory_space<hbm>>)
      } else {
      }
      %add3A_231 = arith.constant 1 : i32
      %add3A_232 = arith.addi %add3A_228, %add3A_231 : i32
      %mul3A_233 = arith.constant 200 : i32
      %mul3A_234 = arith.muli %add3A_232, %mul3A_233 : i32
      %multiple_of3A_235 = tpu.assume_multiple %mul3A_234, 8 : i32
      %add3A_236 = arith.constant 128 : i32
      %add3A_237 = arith.addi %multiple_of3A_235, %add3A_236 : i32
      %dma_start3A_238 = arith.constant 1 : i32
      %dma_start3A_239 = arith.constant 0 : i32
      %dma_start3A_240 = arith.constant 0 : i32
      %dma_start3A_241 = tpu.memref_slice %arg7[%dma_start3A_238, %dma_start3A_239, %dma_start3A_240] : memref<3x200x128xf32, #tpu.memory_space<vmem>> -> memref<1x200x128xf32, #tpu.memory_space<vmem>>
      %dma_start3A_242 = tpu.memref_squeeze %dma_start3A_241 : memref<1x200x128xf32, #tpu.memory_space<vmem>> -> memref<200x128xf32, #tpu.memory_space<vmem>>
      %dma_start3A_243 = arith.constant 0 : i32
      %dma_start3A_244 = arith.constant 0 : i32
      %dma_start3A_245 = tpu.memref_slice %dma_start3A_242[%dma_start3A_243, %dma_start3A_244] : memref<200x128xf32, #tpu.memory_space<vmem>> -> memref<128x128xf32, #tpu.memory_space<vmem>>
      %dma_start3A_246 = tpu.memref_slice %arg6[%multiple_of3A_235] : memref<25600xi32, #tpu.memory_space<vmem>> -> memref<128xi32, #tpu.memory_space<vmem>>
      %dma_start3A_247 = arith.constant 0 : i32
      %dma_start3A_248 = arith.constant 0 : i32
      %dma_start3A_249 = tpu.memref_slice %arg3[%dma_start3A_247, %dma_start3A_248] : memref<100000x128xf32, #tpu.memory_space<hbm>> -> memref<100000x128xf32, #tpu.memory_space<hbm>>
      tpu.enqueue_indirect_dma source(%dma_start3A_249 : memref<100000x128xf32, #tpu.memory_space<hbm>>) target(%dma_start3A_245 : memref<128x128xf32, #tpu.memory_space<vmem>>) offsets(%dma_start3A_246 : memref<128xi32, #tpu.memory_space<vmem>>) semaphore(%arg9 : memref<!tpu.dma_semaphore, #tpu.memory_space<semaphore_mem>>)
      %dma_start3A_250 = arith.constant 1 : i32
      %dma_start3A_251 = arith.constant 0 : i32
      %dma_start3A_252 = arith.constant 0 : i32
      %dma_start3A_253 = tpu.memref_slice %arg7[%dma_start3A_250, %dma_start3A_251, %dma_start3A_252] : memref<3x200x128xf32, #tpu.memory_space<vmem>> -> memref<1x200x128xf32, #tpu.memory_space<vmem>>
      %dma_start3A_254 = tpu.memref_squeeze %dma_start3A_253 : memref<1x200x128xf32, #tpu.memory_space<vmem>> -> memref<200x128xf32, #tpu.memory_space<vmem>>
      %dma_start3A_255 = arith.constant 128 : i32
      %dma_start3A_256 = arith.constant 0 : i32
      %dma_start3A_257 = tpu.memref_slice %dma_start3A_254[%dma_start3A_255, %dma_start3A_256] : memref<200x128xf32, #tpu.memory_space<vmem>> -> memref<72x128xf32, #tpu.memory_space<vmem>>
      %dma_start3A_258 = tpu.memref_slice %arg6[%add3A_237] : memref<25600xi32, #tpu.memory_space<vmem>> -> memref<72xi32, #tpu.memory_space<vmem>>
      %dma_start3A_259 = arith.constant 0 : i32
      %dma_start3A_260 = arith.constant 0 : i32
      %dma_start3A_261 = tpu.memref_slice %arg3[%dma_start3A_259, %dma_start3A_260] : memref<100000x128xf32, #tpu.memory_space<hbm>> -> memref<100000x128xf32, #tpu.memory_space<hbm>>
      tpu.enqueue_indirect_dma source(%dma_start3A_261 : memref<100000x128xf32, #tpu.memory_space<hbm>>) target(%dma_start3A_257 : memref<72x128xf32, #tpu.memory_space<vmem>>) offsets(%dma_start3A_258 : memref<72xi32, #tpu.memory_space<vmem>>) semaphore(%arg9 : memref<!tpu.dma_semaphore, #tpu.memory_space<semaphore_mem>>)
      %mul3A_262 = arith.constant 200 : i32
      %mul3A_263 = arith.muli %add3A_228, %mul3A_262 : i32
      %multiple_of3A_264 = tpu.assume_multiple %mul3A_263, 8 : i32
      %add3A_265 = arith.constant 128 : i32
      %add3A_266 = arith.addi %multiple_of3A_264, %add3A_265 : i32
      %dma_wait3A_267 = arith.constant 0 : i32
      %dma_wait3A_268 = arith.constant 0 : i32
      %dma_wait3A_269 = arith.constant 0 : i32
      %dma_wait3A_270 = tpu.memref_slice %arg7[%dma_wait3A_267, %dma_wait3A_268, %dma_wait3A_269] : memref<3x200x128xf32, #tpu.memory_space<vmem>> -> memref<1x200x128xf32, #tpu.memory_space<vmem>>
      %dma_wait3A_271 = tpu.memref_squeeze %dma_wait3A_270 : memref<1x200x128xf32, #tpu.memory_space<vmem>> -> memref<200x128xf32, #tpu.memory_space<vmem>>
      %dma_wait3A_272 = arith.constant 0 : i32
      %dma_wait3A_273 = arith.constant 0 : i32
      %dma_wait3A_274 = tpu.memref_slice %dma_wait3A_271[%dma_wait3A_272, %dma_wait3A_273] : memref<200x128xf32, #tpu.memory_space<vmem>> -> memref<128x128xf32, #tpu.memory_space<vmem>>
      %dma_wait3A_275 = tpu.memref_slice %arg6[%multiple_of3A_264] : memref<25600xi32, #tpu.memory_space<vmem>> -> memref<128xi32, #tpu.memory_space<vmem>>
      %dma_wait3A_276 = arith.constant 0 : i32
      %dma_wait3A_277 = arith.constant 0 : i32
      %dma_wait3A_278 = tpu.memref_slice %arg3[%dma_wait3A_276, %dma_wait3A_277] : memref<100000x128xf32, #tpu.memory_space<hbm>> -> memref<100000x128xf32, #tpu.memory_space<hbm>>
      tpu.wait_indirect_dma semaphore(%arg9 : memref<!tpu.dma_semaphore, #tpu.memory_space<semaphore_mem>>) src(%dma_wait3A_278 : memref<100000x128xf32, #tpu.memory_space<hbm>>) dst(%dma_wait3A_274 : memref<128x128xf32, #tpu.memory_space<vmem>>)
      %dma_wait3A_279 = arith.constant 0 : i32
      %dma_wait3A_280 = arith.constant 0 : i32
      %dma_wait3A_281 = arith.constant 0 : i32
      %dma_wait3A_282 = tpu.memref_slice %arg7[%dma_wait3A_279, %dma_wait3A_280, %dma_wait3A_281] : memref<3x200x128xf32, #tpu.memory_space<vmem>> -> memref<1x200x128xf32, #tpu.memory_space<vmem>>
      %dma_wait3A_283 = tpu.memref_squeeze %dma_wait3A_282 : memref<1x200x128xf32, #tpu.memory_space<vmem>> -> memref<200x128xf32, #tpu.memory_space<vmem>>
      %dma_wait3A_284 = arith.constant 128 : i32
      %dma_wait3A_285 = arith.constant 0 : i32
      %dma_wait3A_286 = tpu.memref_slice %dma_wait3A_283[%dma_wait3A_284, %dma_wait3A_285] : memref<200x128xf32, #tpu.memory_space<vmem>> -> memref<72x128xf32, #tpu.memory_space<vmem>>
      %dma_wait3A_287 = tpu.memref_slice %arg6[%add3A_266] : memref<25600xi32, #tpu.memory_space<vmem>> -> memref<72xi32, #tpu.memory_space<vmem>>
      %dma_wait3A_288 = arith.constant 0 : i32
      %dma_wait3A_289 = arith.constant 0 : i32
      %dma_wait3A_290 = tpu.memref_slice %arg3[%dma_wait3A_288, %dma_wait3A_289] : memref<100000x128xf32, #tpu.memory_space<hbm>> -> memref<100000x128xf32, #tpu.memory_space<hbm>>
      tpu.wait_indirect_dma semaphore(%arg9 : memref<!tpu.dma_semaphore, #tpu.memory_space<semaphore_mem>>) src(%dma_wait3A_290 : memref<100000x128xf32, #tpu.memory_space<hbm>>) dst(%dma_wait3A_286 : memref<72x128xf32, #tpu.memory_space<vmem>>)
      %scan3A_291 = arith.constant 0 : i32
      %scan3A_292 = arith.constant 0 : i32
      %scan3A_293 = arith.constant 200 : i32
      %scan3A_294 = arith.addi %scan3A_292, %scan3A_293 : i32
      %scan3A_295 = arith.constant 1 : i32
      %scan3A_296 = scf.for %scan3A_499 = %scan3A_292 to %scan3A_294 step %scan3A_295 iter_args(%scan3A_500 = %scan3A_291) -> (i32)  : i32 {
        %get3A = arith.index_cast %scan3A_499 : i32 to index
        %get3A_501 = arith.constant 0 : index
        %get3A_502 = tpu.vector_load %arg8[%get3A, %get3A_501] {strides = array<i32>} : memref<200x128xf32, #tpu.memory_space<vmem>>, vector<1x16xf32>,
        %get3A_503 = vector.shape_cast %get3A_502 : vector<1x16xf32> to vector<16xf32>
        %swap3A = arith.constant 0 : i32
        %swap3A_504 = arith.index_cast %swap3A : i32 to index
        %swap3A_505 = arith.index_cast %scan3A_499 : i32 to index
        %swap3A_506 = arith.constant 0 : index
        %swap3A_507 = tpu.vector_load %arg7[%swap3A_504, %swap3A_505, %swap3A_506] {strides = array<i32>} : memref<3x200x128xf32, #tpu.memory_space<vmem>>, vector<1x1x16xf32>,
        %swap3A_508 = vector.shape_cast %swap3A_507 : vector<1x1x16xf32> to vector<16xf32>
        %swap3A_509 = vector.shape_cast %get3A_503 : vector<16xf32> to vector<1x1x16xf32>
        tpu.vector_store %arg7[%swap3A_504, %swap3A_505, %swap3A_506], %swap3A_509 {add = true, strides = array<i32>} : memref<3x200x128xf32, #tpu.memory_space<vmem>>, vector<1x1x16xf32>,
        %get3A_510 = arith.index_cast %scan3A_499 : i32 to index
        %get3A_511 = arith.constant 16 : index
        %get3A_512 = tpu.vector_load %arg8[%get3A_510, %get3A_511] {strides = array<i32>} : memref<200x128xf32, #tpu.memory_space<vmem>>, vector<1x16xf32>,
        %get3A_513 = vector.shape_cast %get3A_512 : vector<1x16xf32> to vector<16xf32>
        %swap3A_514 = arith.constant 0 : i32
        %swap3A_515 = arith.index_cast %swap3A_514 : i32 to index
        %swap3A_516 = arith.index_cast %scan3A_499 : i32 to index
        %swap3A_517 = arith.constant 16 : index
        %swap3A_518 = tpu.vector_load %arg7[%swap3A_515, %swap3A_516, %swap3A_517] {strides = array<i32>} : memref<3x200x128xf32, #tpu.memory_space<vmem>>, vector<1x1x16xf32>,
        %swap3A_519 = vector.shape_cast %swap3A_518 : vector<1x1x16xf32> to vector<16xf32>
        %swap3A_520 = vector.shape_cast %get3A_513 : vector<16xf32> to vector<1x1x16xf32>
        tpu.vector_store %arg7[%swap3A_515, %swap3A_516, %swap3A_517], %swap3A_520 {add = true, strides = array<i32>} : memref<3x200x128xf32, #tpu.memory_space<vmem>>, vector<1x1x16xf32>,
        %get3A_521 = arith.index_cast %scan3A_499 : i32 to index
        %get3A_522 = arith.constant 32 : index
        %get3A_523 = tpu.vector_load %arg8[%get3A_521, %get3A_522] {strides = array<i32>} : memref<200x128xf32, #tpu.memory_space<vmem>>, vector<1x16xf32>,
        %get3A_524 = vector.shape_cast %get3A_523 : vector<1x16xf32> to vector<16xf32>
        %swap3A_525 = arith.constant 0 : i32
        %swap3A_526 = arith.index_cast %swap3A_525 : i32 to index
        %swap3A_527 = arith.index_cast %scan3A_499 : i32 to index
        %swap3A_528 = arith.constant 32 : index
        %swap3A_529 = tpu.vector_load %arg7[%swap3A_526, %swap3A_527, %swap3A_528] {strides = array<i32>} : memref<3x200x128xf32, #tpu.memory_space<vmem>>, vector<1x1x16xf32>,
        %swap3A_530 = vector.shape_cast %swap3A_529 : vector<1x1x16xf32> to vector<16xf32>
        %swap3A_531 = vector.shape_cast %get3A_524 : vector<16xf32> to vector<1x1x16xf32>
        tpu.vector_store %arg7[%swap3A_526, %swap3A_527, %swap3A_528], %swap3A_531 {add = true, strides = array<i32>} : memref<3x200x128xf32, #tpu.memory_space<vmem>>, vector<1x1x16xf32>,
        %get3A_532 = arith.index_cast %scan3A_499 : i32 to index
        %get3A_533 = arith.constant 48 : index
        %get3A_534 = tpu.vector_load %arg8[%get3A_532, %get3A_533] {strides = array<i32>} : memref<200x128xf32, #tpu.memory_space<vmem>>, vector<1x16xf32>,
        %get3A_535 = vector.shape_cast %get3A_534 : vector<1x16xf32> to vector<16xf32>
        %swap3A_536 = arith.constant 0 : i32
        %swap3A_537 = arith.index_cast %swap3A_536 : i32 to index
        %swap3A_538 = arith.index_cast %scan3A_499 : i32 to index
        %swap3A_539 = arith.constant 48 : index
        %swap3A_540 = tpu.vector_load %arg7[%swap3A_537, %swap3A_538, %swap3A_539] {strides = array<i32>} : memref<3x200x128xf32, #tpu.memory_space<vmem>>, vector<1x1x16xf32>,
        %swap3A_541 = vector.shape_cast %swap3A_540 : vector<1x1x16xf32> to vector<16xf32>
        %swap3A_542 = vector.shape_cast %get3A_535 : vector<16xf32> to vector<1x1x16xf32>
        tpu.vector_store %arg7[%swap3A_537, %swap3A_538, %swap3A_539], %swap3A_542 {add = true, strides = array<i32>} : memref<3x200x128xf32, #tpu.memory_space<vmem>>, vector<1x1x16xf32>,
        %get3A_543 = arith.index_cast %scan3A_499 : i32 to index
        %get3A_544 = arith.constant 64 : index
        %get3A_545 = tpu.vector_load %arg8[%get3A_543, %get3A_544] {strides = array<i32>} : memref<200x128xf32, #tpu.memory_space<vmem>>, vector<1x16xf32>,
        %get3A_546 = vector.shape_cast %get3A_545 : vector<1x16xf32> to vector<16xf32>
        %swap3A_547 = arith.constant 0 : i32
        %swap3A_548 = arith.index_cast %swap3A_547 : i32 to index
        %swap3A_549 = arith.index_cast %scan3A_499 : i32 to index
        %swap3A_550 = arith.constant 64 : index
        %swap3A_551 = tpu.vector_load %arg7[%swap3A_548, %swap3A_549, %swap3A_550] {strides = array<i32>} : memref<3x200x128xf32, #tpu.memory_space<vmem>>, vector<1x1x16xf32>,
        %swap3A_552 = vector.shape_cast %swap3A_551 : vector<1x1x16xf32> to vector<16xf32>
        %swap3A_553 = vector.shape_cast %get3A_546 : vector<16xf32> to vector<1x1x16xf32>
        tpu.vector_store %arg7[%swap3A_548, %swap3A_549, %swap3A_550], %swap3A_553 {add = true, strides = array<i32>} : memref<3x200x128xf32, #tpu.memory_space<vmem>>, vector<1x1x16xf32>,
        %get3A_554 = arith.index_cast %scan3A_499 : i32 to index
        %get3A_555 = arith.constant 80 : index
        %get3A_556 = tpu.vector_load %arg8[%get3A_554, %get3A_555] {strides = array<i32>} : memref<200x128xf32, #tpu.memory_space<vmem>>, vector<1x16xf32>,
        %get3A_557 = vector.shape_cast %get3A_556 : vector<1x16xf32> to vector<16xf32>
        %swap3A_558 = arith.constant 0 : i32
        %swap3A_559 = arith.index_cast %swap3A_558 : i32 to index
        %swap3A_560 = arith.index_cast %scan3A_499 : i32 to index
        %swap3A_561 = arith.constant 80 : index
        %swap3A_562 = tpu.vector_load %arg7[%swap3A_559, %swap3A_560, %swap3A_561] {strides = array<i32>} : memref<3x200x128xf32, #tpu.memory_space<vmem>>, vector<1x1x16xf32>,
        %swap3A_563 = vector.shape_cast %swap3A_562 : vector<1x1x16xf32> to vector<16xf32>
        %swap3A_564 = vector.shape_cast %get3A_557 : vector<16xf32> to vector<1x1x16xf32>
        tpu.vector_store %arg7[%swap3A_559, %swap3A_560, %swap3A_561], %swap3A_564 {add = true, strides = array<i32>} : memref<3x200x128xf32, #tpu.memory_space<vmem>>, vector<1x1x16xf32>,
        %get3A_565 = arith.index_cast %scan3A_499 : i32 to index
        %get3A_566 = arith.constant 96 : index
        %get3A_567 = tpu.vector_load %arg8[%get3A_565, %get3A_566] {strides = array<i32>} : memref<200x128xf32, #tpu.memory_space<vmem>>, vector<1x16xf32>,
        %get3A_568 = vector.shape_cast %get3A_567 : vector<1x16xf32> to vector<16xf32>
        %swap3A_569 = arith.constant 0 : i32
        %swap3A_570 = arith.index_cast %swap3A_569 : i32 to index
        %swap3A_571 = arith.index_cast %scan3A_499 : i32 to index
        %swap3A_572 = arith.constant 96 : index
        %swap3A_573 = tpu.vector_load %arg7[%swap3A_570, %swap3A_571, %swap3A_572] {strides = array<i32>} : memref<3x200x128xf32, #tpu.memory_space<vmem>>, vector<1x1x16xf32>,
        %swap3A_574 = vector.shape_cast %swap3A_573 : vector<1x1x16xf32> to vector<16xf32>
        %swap3A_575 = vector.shape_cast %get3A_568 : vector<16xf32> to vector<1x1x16xf32>
        tpu.vector_store %arg7[%swap3A_570, %swap3A_571, %swap3A_572], %swap3A_575 {add = true, strides = array<i32>} : memref<3x200x128xf32, #tpu.memory_space<vmem>>, vector<1x1x16xf32>,
        %get3A_576 = arith.index_cast %scan3A_499 : i32 to index
        %get3A_577 = arith.constant 112 : index
        %get3A_578 = tpu.vector_load %arg8[%get3A_576, %get3A_577] {strides = array<i32>} : memref<200x128xf32, #tpu.memory_space<vmem>>, vector<1x16xf32>,
        %get3A_579 = vector.shape_cast %get3A_578 : vector<1x16xf32> to vector<16xf32>
        %swap3A_580 = arith.constant 0 : i32
        %swap3A_581 = arith.index_cast %swap3A_580 : i32 to index
        %swap3A_582 = arith.index_cast %scan3A_499 : i32 to index
        %swap3A_583 = arith.constant 112 : index
        %swap3A_584 = tpu.vector_load %arg7[%swap3A_581, %swap3A_582, %swap3A_583] {strides = array<i32>} : memref<3x200x128xf32, #tpu.memory_space<vmem>>, vector<1x1x16xf32>,
        %swap3A_585 = vector.shape_cast %swap3A_584 : vector<1x1x16xf32> to vector<16xf32>
        %swap3A_586 = vector.shape_cast %get3A_579 : vector<16xf32> to vector<1x1x16xf32>
        tpu.vector_store %arg7[%swap3A_581, %swap3A_582, %swap3A_583], %swap3A_586 {add = true, strides = array<i32>} : memref<3x200x128xf32, #tpu.memory_space<vmem>>, vector<1x1x16xf32>,
        %scan3A_587 = arith.constant 0 : i32
        scf.yield %scan3A_587 : i32
      }
      %scan3A_297 = arith.constant 200 : i32
      %mul3A_298 = arith.constant 200 : i32
      %mul3A_299 = arith.muli %add3A_228, %mul3A_298 : i32
      %add3A_300 = arith.addi %multiple_of3A, %mul3A_299 : i32
      %dma_start3A_301 = arith.constant 0 : i32
      %dma_start3A_302 = arith.constant 0 : i32
      %dma_start3A_303 = arith.constant 0 : i32
      %dma_start3A_304 = tpu.memref_slice %arg7[%dma_start3A_301, %dma_start3A_302, %dma_start3A_303] : memref<3x200x128xf32, #tpu.memory_space<vmem>> -> memref<1x200x128xf32, #tpu.memory_space<vmem>>
      %dma_start3A_305 = tpu.memref_squeeze %dma_start3A_304 : memref<1x200x128xf32, #tpu.memory_space<vmem>> -> memref<200x128xf32, #tpu.memory_space<vmem>>
      %dma_start3A_306 = arith.constant 0 : i32
      %dma_start3A_307 = tpu.memref_slice %arg5[%add3A_300, %dma_start3A_306] : memref<819200x128xf32, #tpu.memory_space<hbm>> -> memref<200x128xf32, #tpu.memory_space<hbm>>
      %dma_start3A_308 = arith.constant 0 : i32
      %dma_start3A_309 = tpu.memref_slice %arg5[%add3A_300, %dma_start3A_308] : memref<819200x128xf32, #tpu.memory_space<hbm>> -> memref<200x128xf32, #tpu.memory_space<hbm>>
      %dma_start3A_310 = arith.constant 0 : i32
      %dma_start3A_311 = arith.constant 0 : i32
      %dma_start3A_312 = tpu.memref_slice %arg7[%dma_start3A_301, %dma_start3A_310, %dma_start3A_311] : memref<3x200x128xf32, #tpu.memory_space<vmem>> -> memref<1x200x128xf32, #tpu.memory_space<vmem>>
      %dma_start3A_313 = tpu.memref_squeeze %dma_start3A_312 : memref<1x200x128xf32, #tpu.memory_space<vmem>> -> memref<200x128xf32, #tpu.memory_space<vmem>>
      tpu.enqueue_dma source(%dma_start3A_313 : memref<200x128xf32, #tpu.memory_space<vmem>>) target(%dma_start3A_309 : memref<200x128xf32, #tpu.memory_space<hbm>>) target_semaphore(%arg10 : memref<!tpu.dma_semaphore, #tpu.memory_space<semaphore_mem>>)
      %mul3A_314 = arith.constant 3 : i32
      %mul3A_315 = arith.muli %mul3A_314, %scan3A_223 : i32
      %add3A_316 = arith.constant 1 : i32
      %add3A_317 = arith.addi %mul3A_315, %add3A_316 : i32
      %ge3A_318 = arith.constant 2 : i32
      %ge3A_319 = arith.cmpi sge, %add3A_317, %ge3A_318 : i32
      %convert_element_type3A_320 = arith.extui %ge3A_319 : i1 to i32
      %cond3A_321 = arith.constant 0 : i32
      %cond3A_322 = arith.cmpi ne, %convert_element_type3A_320, %cond3A_321 : i32
      scf.if %cond3A_322 {
        %sub3A = arith.constant 2 : i32
        %sub3A_499 = arith.subi %add3A_317, %sub3A : i32
        %mul3A_500 = arith.constant 200 : i32
        %mul3A_501 = arith.muli %sub3A_499, %mul3A_500 : i32
        %add3A_502 = arith.addi %multiple_of3A, %mul3A_501 : i32
        %dma_wait3A_503 = arith.constant 2 : i32
        %dma_wait3A_504 = arith.constant 0 : i32
        %dma_wait3A_505 = arith.constant 0 : i32
        %dma_wait3A_506 = tpu.memref_slice %arg7[%dma_wait3A_503, %dma_wait3A_504, %dma_wait3A_505] : memref<3x200x128xf32, #tpu.memory_space<vmem>> -> memref<1x200x128xf32, #tpu.memory_space<vmem>>
        %dma_wait3A_507 = tpu.memref_squeeze %dma_wait3A_506 : memref<1x200x128xf32, #tpu.memory_space<vmem>> -> memref<200x128xf32, #tpu.memory_space<vmem>>
        %dma_wait3A_508 = arith.constant 0 : i32
        %dma_wait3A_509 = tpu.memref_slice %arg5[%add3A_502, %dma_wait3A_508] : memref<819200x128xf32, #tpu.memory_space<hbm>> -> memref<200x128xf32, #tpu.memory_space<hbm>>
        %dma_wait3A_510 = arith.constant 0 : i32
        %dma_wait3A_511 = tpu.memref_slice %arg5[%add3A_502, %dma_wait3A_510] : memref<819200x128xf32, #tpu.memory_space<hbm>> -> memref<200x128xf32, #tpu.memory_space<hbm>>
        %dma_wait3A_512 = arith.constant 0 : i32
        %dma_wait3A_513 = arith.constant 0 : i32
        %dma_wait3A_514 = tpu.memref_slice %arg7[%dma_wait3A_503, %dma_wait3A_512, %dma_wait3A_513] : memref<3x200x128xf32, #tpu.memory_space<vmem>> -> memref<1x200x128xf32, #tpu.memory_space<vmem>>
        %dma_wait3A_515 = tpu.memref_squeeze %dma_wait3A_514 : memref<1x200x128xf32, #tpu.memory_space<vmem>> -> memref<200x128xf32, #tpu.memory_space<vmem>>
        tpu.wait_dma2 semaphore(%arg10 : memref<!tpu.dma_semaphore, #tpu.memory_space<semaphore_mem>>) src(%dma_wait3A_515 : memref<200x128xf32, #tpu.memory_space<vmem>>) dst(%dma_wait3A_511 : memref<200x128xf32, #tpu.memory_space<hbm>>)
      } else {
      }
      %add3A_323 = arith.constant 1 : i32
      %add3A_324 = arith.addi %add3A_317, %add3A_323 : i32
      %mul3A_325 = arith.constant 200 : i32
      %mul3A_326 = arith.muli %add3A_324, %mul3A_325 : i32
      %multiple_of3A_327 = tpu.assume_multiple %mul3A_326, 8 : i32
      %add3A_328 = arith.constant 128 : i32
      %add3A_329 = arith.addi %multiple_of3A_327, %add3A_328 : i32
      %dma_start3A_330 = arith.constant 2 : i32
      %dma_start3A_331 = arith.constant 0 : i32
      %dma_start3A_332 = arith.constant 0 : i32
      %dma_start3A_333 = tpu.memref_slice %arg7[%dma_start3A_330, %dma_start3A_331, %dma_start3A_332] : memref<3x200x128xf32, #tpu.memory_space<vmem>> -> memref<1x200x128xf32, #tpu.memory_space<vmem>>
      %dma_start3A_334 = tpu.memref_squeeze %dma_start3A_333 : memref<1x200x128xf32, #tpu.memory_space<vmem>> -> memref<200x128xf32, #tpu.memory_space<vmem>>
      %dma_start3A_335 = arith.constant 0 : i32
      %dma_start3A_336 = arith.constant 0 : i32
      %dma_start3A_337 = tpu.memref_slice %dma_start3A_334[%dma_start3A_335, %dma_start3A_336] : memref<200x128xf32, #tpu.memory_space<vmem>> -> memref<128x128xf32, #tpu.memory_space<vmem>>
      %dma_start3A_338 = tpu.memref_slice %arg6[%multiple_of3A_327] : memref<25600xi32, #tpu.memory_space<vmem>> -> memref<128xi32, #tpu.memory_space<vmem>>
      %dma_start3A_339 = arith.constant 0 : i32
      %dma_start3A_340 = arith.constant 0 : i32
      %dma_start3A_341 = tpu.memref_slice %arg3[%dma_start3A_339, %dma_start3A_340] : memref<100000x128xf32, #tpu.memory_space<hbm>> -> memref<100000x128xf32, #tpu.memory_space<hbm>>
      tpu.enqueue_indirect_dma source(%dma_start3A_341 : memref<100000x128xf32, #tpu.memory_space<hbm>>) target(%dma_start3A_337 : memref<128x128xf32, #tpu.memory_space<vmem>>) offsets(%dma_start3A_338 : memref<128xi32, #tpu.memory_space<vmem>>) semaphore(%arg9 : memref<!tpu.dma_semaphore, #tpu.memory_space<semaphore_mem>>)
      %dma_start3A_342 = arith.constant 2 : i32
      %dma_start3A_343 = arith.constant 0 : i32
      %dma_start3A_344 = arith.constant 0 : i32
      %dma_start3A_345 = tpu.memref_slice %arg7[%dma_start3A_342, %dma_start3A_343, %dma_start3A_344] : memref<3x200x128xf32, #tpu.memory_space<vmem>> -> memref<1x200x128xf32, #tpu.memory_space<vmem>>
      %dma_start3A_346 = tpu.memref_squeeze %dma_start3A_345 : memref<1x200x128xf32, #tpu.memory_space<vmem>> -> memref<200x128xf32, #tpu.memory_space<vmem>>
      %dma_start3A_347 = arith.constant 128 : i32
      %dma_start3A_348 = arith.constant 0 : i32
      %dma_start3A_349 = tpu.memref_slice %dma_start3A_346[%dma_start3A_347, %dma_start3A_348] : memref<200x128xf32, #tpu.memory_space<vmem>> -> memref<72x128xf32, #tpu.memory_space<vmem>>
      %dma_start3A_350 = tpu.memref_slice %arg6[%add3A_329] : memref<25600xi32, #tpu.memory_space<vmem>> -> memref<72xi32, #tpu.memory_space<vmem>>
      %dma_start3A_351 = arith.constant 0 : i32
      %dma_start3A_352 = arith.constant 0 : i32
      %dma_start3A_353 = tpu.memref_slice %arg3[%dma_start3A_351, %dma_start3A_352] : memref<100000x128xf32, #tpu.memory_space<hbm>> -> memref<100000x128xf32, #tpu.memory_space<hbm>>
      tpu.enqueue_indirect_dma source(%dma_start3A_353 : memref<100000x128xf32, #tpu.memory_space<hbm>>) target(%dma_start3A_349 : memref<72x128xf32, #tpu.memory_space<vmem>>) offsets(%dma_start3A_350 : memref<72xi32, #tpu.memory_space<vmem>>) semaphore(%arg9 : memref<!tpu.dma_semaphore, #tpu.memory_space<semaphore_mem>>)
      %mul3A_354 = arith.constant 200 : i32
      %mul3A_355 = arith.muli %add3A_317, %mul3A_354 : i32
      %multiple_of3A_356 = tpu.assume_multiple %mul3A_355, 8 : i32
      %add3A_357 = arith.constant 128 : i32
      %add3A_358 = arith.addi %multiple_of3A_356, %add3A_357 : i32
      %dma_wait3A_359 = arith.constant 1 : i32
      %dma_wait3A_360 = arith.constant 0 : i32
      %dma_wait3A_361 = arith.constant 0 : i32
      %dma_wait3A_362 = tpu.memref_slice %arg7[%dma_wait3A_359, %dma_wait3A_360, %dma_wait3A_361] : memref<3x200x128xf32, #tpu.memory_space<vmem>> -> memref<1x200x128xf32, #tpu.memory_space<vmem>>
      %dma_wait3A_363 = tpu.memref_squeeze %dma_wait3A_362 : memref<1x200x128xf32, #tpu.memory_space<vmem>> -> memref<200x128xf32, #tpu.memory_space<vmem>>
      %dma_wait3A_364 = arith.constant 0 : i32
      %dma_wait3A_365 = arith.constant 0 : i32
      %dma_wait3A_366 = tpu.memref_slice %dma_wait3A_363[%dma_wait3A_364, %dma_wait3A_365] : memref<200x128xf32, #tpu.memory_space<vmem>> -> memref<128x128xf32, #tpu.memory_space<vmem>>
      %dma_wait3A_367 = tpu.memref_slice %arg6[%multiple_of3A_356] : memref<25600xi32, #tpu.memory_space<vmem>> -> memref<128xi32, #tpu.memory_space<vmem>>
      %dma_wait3A_368 = arith.constant 0 : i32
      %dma_wait3A_369 = arith.constant 0 : i32
      %dma_wait3A_370 = tpu.memref_slice %arg3[%dma_wait3A_368, %dma_wait3A_369] : memref<100000x128xf32, #tpu.memory_space<hbm>> -> memref<100000x128xf32, #tpu.memory_space<hbm>>
      tpu.wait_indirect_dma semaphore(%arg9 : memref<!tpu.dma_semaphore, #tpu.memory_space<semaphore_mem>>) src(%dma_wait3A_370 : memref<100000x128xf32, #tpu.memory_space<hbm>>) dst(%dma_wait3A_366 : memref<128x128xf32, #tpu.memory_space<vmem>>)
      %dma_wait3A_371 = arith.constant 1 : i32
      %dma_wait3A_372 = arith.constant 0 : i32
      %dma_wait3A_373 = arith.constant 0 : i32
      %dma_wait3A_374 = tpu.memref_slice %arg7[%dma_wait3A_371, %dma_wait3A_372, %dma_wait3A_373] : memref<3x200x128xf32, #tpu.memory_space<vmem>> -> memref<1x200x128xf32, #tpu.memory_space<vmem>>
      %dma_wait3A_375 = tpu.memref_squeeze %dma_wait3A_374 : memref<1x200x128xf32, #tpu.memory_space<vmem>> -> memref<200x128xf32, #tpu.memory_space<vmem>>
      %dma_wait3A_376 = arith.constant 128 : i32
      %dma_wait3A_377 = arith.constant 0 : i32
      %dma_wait3A_378 = tpu.memref_slice %dma_wait3A_375[%dma_wait3A_376, %dma_wait3A_377] : memref<200x128xf32, #tpu.memory_space<vmem>> -> memref<72x128xf32, #tpu.memory_space<vmem>>
      %dma_wait3A_379 = tpu.memref_slice %arg6[%add3A_358] : memref<25600xi32, #tpu.memory_space<vmem>> -> memref<72xi32, #tpu.memory_space<vmem>>
      %dma_wait3A_380 = arith.constant 0 : i32
      %dma_wait3A_381 = arith.constant 0 : i32
      %dma_wait3A_382 = tpu.memref_slice %arg3[%dma_wait3A_380, %dma_wait3A_381] : memref<100000x128xf32, #tpu.memory_space<hbm>> -> memref<100000x128xf32, #tpu.memory_space<hbm>>
      tpu.wait_indirect_dma semaphore(%arg9 : memref<!tpu.dma_semaphore, #tpu.memory_space<semaphore_mem>>) src(%dma_wait3A_382 : memref<100000x128xf32, #tpu.memory_space<hbm>>) dst(%dma_wait3A_378 : memref<72x128xf32, #tpu.memory_space<vmem>>)
      %scan3A_383 = arith.constant 0 : i32
      %scan3A_384 = arith.constant 0 : i32
      %scan3A_385 = arith.constant 200 : i32
      %scan3A_386 = arith.addi %scan3A_384, %scan3A_385 : i32
      %scan3A_387 = arith.constant 1 : i32
      %scan3A_388 = scf.for %scan3A_499 = %scan3A_384 to %scan3A_386 step %scan3A_387 iter_args(%scan3A_500 = %scan3A_383) -> (i32)  : i32 {
        %get3A = arith.index_cast %scan3A_499 : i32 to index
        %get3A_501 = arith.constant 0 : index
        %get3A_502 = tpu.vector_load %arg8[%get3A, %get3A_501] {strides = array<i32>} : memref<200x128xf32, #tpu.memory_space<vmem>>, vector<1x16xf32>,
        %get3A_503 = vector.shape_cast %get3A_502 : vector<1x16xf32> to vector<16xf32>
        %swap3A = arith.constant 1 : i32
        %swap3A_504 = arith.index_cast %swap3A : i32 to index
        %swap3A_505 = arith.index_cast %scan3A_499 : i32 to index
        %swap3A_506 = arith.constant 0 : index
        %swap3A_507 = tpu.vector_load %arg7[%swap3A_504, %swap3A_505, %swap3A_506] {strides = array<i32>} : memref<3x200x128xf32, #tpu.memory_space<vmem>>, vector<1x1x16xf32>,
        %swap3A_508 = vector.shape_cast %swap3A_507 : vector<1x1x16xf32> to vector<16xf32>
        %swap3A_509 = vector.shape_cast %get3A_503 : vector<16xf32> to vector<1x1x16xf32>
        tpu.vector_store %arg7[%swap3A_504, %swap3A_505, %swap3A_506], %swap3A_509 {add = true, strides = array<i32>} : memref<3x200x128xf32, #tpu.memory_space<vmem>>, vector<1x1x16xf32>,
        %get3A_510 = arith.index_cast %scan3A_499 : i32 to index
        %get3A_511 = arith.constant 16 : index
        %get3A_512 = tpu.vector_load %arg8[%get3A_510, %get3A_511] {strides = array<i32>} : memref<200x128xf32, #tpu.memory_space<vmem>>, vector<1x16xf32>,
        %get3A_513 = vector.shape_cast %get3A_512 : vector<1x16xf32> to vector<16xf32>
        %swap3A_514 = arith.constant 1 : i32
        %swap3A_515 = arith.index_cast %swap3A_514 : i32 to index
        %swap3A_516 = arith.index_cast %scan3A_499 : i32 to index
        %swap3A_517 = arith.constant 16 : index
        %swap3A_518 = tpu.vector_load %arg7[%swap3A_515, %swap3A_516, %swap3A_517] {strides = array<i32>} : memref<3x200x128xf32, #tpu.memory_space<vmem>>, vector<1x1x16xf32>,
        %swap3A_519 = vector.shape_cast %swap3A_518 : vector<1x1x16xf32> to vector<16xf32>
        %swap3A_520 = vector.shape_cast %get3A_513 : vector<16xf32> to vector<1x1x16xf32>
        tpu.vector_store %arg7[%swap3A_515, %swap3A_516, %swap3A_517], %swap3A_520 {add = true, strides = array<i32>} : memref<3x200x128xf32, #tpu.memory_space<vmem>>, vector<1x1x16xf32>,
        %get3A_521 = arith.index_cast %scan3A_499 : i32 to index
        %get3A_522 = arith.constant 32 : index
        %get3A_523 = tpu.vector_load %arg8[%get3A_521, %get3A_522] {strides = array<i32>} : memref<200x128xf32, #tpu.memory_space<vmem>>, vector<1x16xf32>,
        %get3A_524 = vector.shape_cast %get3A_523 : vector<1x16xf32> to vector<16xf32>
        %swap3A_525 = arith.constant 1 : i32
        %swap3A_526 = arith.index_cast %swap3A_525 : i32 to index
        %swap3A_527 = arith.index_cast %scan3A_499 : i32 to index
        %swap3A_528 = arith.constant 32 : index
        %swap3A_529 = tpu.vector_load %arg7[%swap3A_526, %swap3A_527, %swap3A_528] {strides = array<i32>} : memref<3x200x128xf32, #tpu.memory_space<vmem>>, vector<1x1x16xf32>,
        %swap3A_530 = vector.shape_cast %swap3A_529 : vector<1x1x16xf32> to vector<16xf32>
        %swap3A_531 = vector.shape_cast %get3A_524 : vector<16xf32> to vector<1x1x16xf32>
        tpu.vector_store %arg7[%swap3A_526, %swap3A_527, %swap3A_528], %swap3A_531 {add = true, strides = array<i32>} : memref<3x200x128xf32, #tpu.memory_space<vmem>>, vector<1x1x16xf32>,
        %get3A_532 = arith.index_cast %scan3A_499 : i32 to index
        %get3A_533 = arith.constant 48 : index
        %get3A_534 = tpu.vector_load %arg8[%get3A_532, %get3A_533] {strides = array<i32>} : memref<200x128xf32, #tpu.memory_space<vmem>>, vector<1x16xf32>,
        %get3A_535 = vector.shape_cast %get3A_534 : vector<1x16xf32> to vector<16xf32>
        %swap3A_536 = arith.constant 1 : i32
        %swap3A_537 = arith.index_cast %swap3A_536 : i32 to index
        %swap3A_538 = arith.index_cast %scan3A_499 : i32 to index
        %swap3A_539 = arith.constant 48 : index
        %swap3A_540 = tpu.vector_load %arg7[%swap3A_537, %swap3A_538, %swap3A_539] {strides = array<i32>} : memref<3x200x128xf32, #tpu.memory_space<vmem>>, vector<1x1x16xf32>,
        %swap3A_541 = vector.shape_cast %swap3A_540 : vector<1x1x16xf32> to vector<16xf32>
        %swap3A_542 = vector.shape_cast %get3A_535 : vector<16xf32> to vector<1x1x16xf32>
        tpu.vector_store %arg7[%swap3A_537, %swap3A_538, %swap3A_539], %swap3A_542 {add = true, strides = array<i32>} : memref<3x200x128xf32, #tpu.memory_space<vmem>>, vector<1x1x16xf32>,
        %get3A_543 = arith.index_cast %scan3A_499 : i32 to index
        %get3A_544 = arith.constant 64 : index
        %get3A_545 = tpu.vector_load %arg8[%get3A_543, %get3A_544] {strides = array<i32>} : memref<200x128xf32, #tpu.memory_space<vmem>>, vector<1x16xf32>,
        %get3A_546 = vector.shape_cast %get3A_545 : vector<1x16xf32> to vector<16xf32>
        %swap3A_547 = arith.constant 1 : i32
        %swap3A_548 = arith.index_cast %swap3A_547 : i32 to index
        %swap3A_549 = arith.index_cast %scan3A_499 : i32 to index
        %swap3A_550 = arith.constant 64 : index
        %swap3A_551 = tpu.vector_load %arg7[%swap3A_548, %swap3A_549, %swap3A_550] {strides = array<i32>} : memref<3x200x128xf32, #tpu.memory_space<vmem>>, vector<1x1x16xf32>,
        %swap3A_552 = vector.shape_cast %swap3A_551 : vector<1x1x16xf32> to vector<16xf32>
        %swap3A_553 = vector.shape_cast %get3A_546 : vector<16xf32> to vector<1x1x16xf32>
        tpu.vector_store %arg7[%swap3A_548, %swap3A_549, %swap3A_550], %swap3A_553 {add = true, strides = array<i32>} : memref<3x200x128xf32, #tpu.memory_space<vmem>>, vector<1x1x16xf32>,
        %get3A_554 = arith.index_cast %scan3A_499 : i32 to index
        %get3A_555 = arith.constant 80 : index
        %get3A_556 = tpu.vector_load %arg8[%get3A_554, %get3A_555] {strides = array<i32>} : memref<200x128xf32, #tpu.memory_space<vmem>>, vector<1x16xf32>,
        %get3A_557 = vector.shape_cast %get3A_556 : vector<1x16xf32> to vector<16xf32>
        %swap3A_558 = arith.constant 1 : i32
        %swap3A_559 = arith.index_cast %swap3A_558 : i32 to index
        %swap3A_560 = arith.index_cast %scan3A_499 : i32 to index
        %swap3A_561 = arith.constant 80 : index
        %swap3A_562 = tpu.vector_load %arg7[%swap3A_559, %swap3A_560, %swap3A_561] {strides = array<i32>} : memref<3x200x128xf32, #tpu.memory_space<vmem>>, vector<1x1x16xf32>,
        %swap3A_563 = vector.shape_cast %swap3A_562 : vector<1x1x16xf32> to vector<16xf32>
        %swap3A_564 = vector.shape_cast %get3A_557 : vector<16xf32> to vector<1x1x16xf32>
        tpu.vector_store %arg7[%swap3A_559, %swap3A_560, %swap3A_561], %swap3A_564 {add = true, strides = array<i32>} : memref<3x200x128xf32, #tpu.memory_space<vmem>>, vector<1x1x16xf32>,
        %get3A_565 = arith.index_cast %scan3A_499 : i32 to index
        %get3A_566 = arith.constant 96 : index
        %get3A_567 = tpu.vector_load %arg8[%get3A_565, %get3A_566] {strides = array<i32>} : memref<200x128xf32, #tpu.memory_space<vmem>>, vector<1x16xf32>,
        %get3A_568 = vector.shape_cast %get3A_567 : vector<1x16xf32> to vector<16xf32>
        %swap3A_569 = arith.constant 1 : i32
        %swap3A_570 = arith.index_cast %swap3A_569 : i32 to index
        %swap3A_571 = arith.index_cast %scan3A_499 : i32 to index
        %swap3A_572 = arith.constant 96 : index
        %swap3A_573 = tpu.vector_load %arg7[%swap3A_570, %swap3A_571, %swap3A_572] {strides = array<i32>} : memref<3x200x128xf32, #tpu.memory_space<vmem>>, vector<1x1x16xf32>,
        %swap3A_574 = vector.shape_cast %swap3A_573 : vector<1x1x16xf32> to vector<16xf32>
        %swap3A_575 = vector.shape_cast %get3A_568 : vector<16xf32> to vector<1x1x16xf32>
        tpu.vector_store %arg7[%swap3A_570, %swap3A_571, %swap3A_572], %swap3A_575 {add = true, strides = array<i32>} : memref<3x200x128xf32, #tpu.memory_space<vmem>>, vector<1x1x16xf32>,
        %get3A_576 = arith.index_cast %scan3A_499 : i32 to index
        %get3A_577 = arith.constant 112 : index
        %get3A_578 = tpu.vector_load %arg8[%get3A_576, %get3A_577] {strides = array<i32>} : memref<200x128xf32, #tpu.memory_space<vmem>>, vector<1x16xf32>,
        %get3A_579 = vector.shape_cast %get3A_578 : vector<1x16xf32> to vector<16xf32>
        %swap3A_580 = arith.constant 1 : i32
        %swap3A_581 = arith.index_cast %swap3A_580 : i32 to index
        %swap3A_582 = arith.index_cast %scan3A_499 : i32 to index
        %swap3A_583 = arith.constant 112 : index
        %swap3A_584 = tpu.vector_load %arg7[%swap3A_581, %swap3A_582, %swap3A_583] {strides = array<i32>} : memref<3x200x128xf32, #tpu.memory_space<vmem>>, vector<1x1x16xf32>,
        %swap3A_585 = vector.shape_cast %swap3A_584 : vector<1x1x16xf32> to vector<16xf32>
        %swap3A_586 = vector.shape_cast %get3A_579 : vector<16xf32> to vector<1x1x16xf32>
        tpu.vector_store %arg7[%swap3A_581, %swap3A_582, %swap3A_583], %swap3A_586 {add = true, strides = array<i32>} : memref<3x200x128xf32, #tpu.memory_space<vmem>>, vector<1x1x16xf32>,
        %scan3A_587 = arith.constant 0 : i32
        scf.yield %scan3A_587 : i32
      }
      %scan3A_389 = arith.constant 200 : i32
      %mul3A_390 = arith.constant 200 : i32
      %mul3A_391 = arith.muli %add3A_317, %mul3A_390 : i32
      %add3A_392 = arith.addi %multiple_of3A, %mul3A_391 : i32
      %dma_start3A_393 = arith.constant 1 : i32
      %dma_start3A_394 = arith.constant 0 : i32
      %dma_start3A_395 = arith.constant 0 : i32
      %dma_start3A_396 = tpu.memref_slice %arg7[%dma_start3A_393, %dma_start3A_394, %dma_start3A_395] : memref<3x200x128xf32, #tpu.memory_space<vmem>> -> memref<1x200x128xf32, #tpu.memory_space<vmem>>
      %dma_start3A_397 = tpu.memref_squeeze %dma_start3A_396 : memref<1x200x128xf32, #tpu.memory_space<vmem>> -> memref<200x128xf32, #tpu.memory_space<vmem>>
      %dma_start3A_398 = arith.constant 0 : i32
      %dma_start3A_399 = tpu.memref_slice %arg5[%add3A_392, %dma_start3A_398] : memref<819200x128xf32, #tpu.memory_space<hbm>> -> memref<200x128xf32, #tpu.memory_space<hbm>>
      %dma_start3A_400 = arith.constant 0 : i32
      %dma_start3A_401 = tpu.memref_slice %arg5[%add3A_392, %dma_start3A_400] : memref<819200x128xf32, #tpu.memory_space<hbm>> -> memref<200x128xf32, #tpu.memory_space<hbm>>
      %dma_start3A_402 = arith.constant 0 : i32
      %dma_start3A_403 = arith.constant 0 : i32
      %dma_start3A_404 = tpu.memref_slice %arg7[%dma_start3A_393, %dma_start3A_402, %dma_start3A_403] : memref<3x200x128xf32, #tpu.memory_space<vmem>> -> memref<1x200x128xf32, #tpu.memory_space<vmem>>
      %dma_start3A_405 = tpu.memref_squeeze %dma_start3A_404 : memref<1x200x128xf32, #tpu.memory_space<vmem>> -> memref<200x128xf32, #tpu.memory_space<vmem>>
      tpu.enqueue_dma source(%dma_start3A_405 : memref<200x128xf32, #tpu.memory_space<vmem>>) target(%dma_start3A_401 : memref<200x128xf32, #tpu.memory_space<hbm>>) target_semaphore(%arg10 : memref<!tpu.dma_semaphore, #tpu.memory_space<semaphore_mem>>)
      %mul3A_406 = arith.constant 3 : i32
      %mul3A_407 = arith.muli %mul3A_406, %scan3A_223 : i32
      %add3A_408 = arith.constant 2 : i32
      %add3A_409 = arith.addi %mul3A_407, %add3A_408 : i32
      %ge3A_410 = arith.constant 2 : i32
      %ge3A_411 = arith.cmpi sge, %add3A_409, %ge3A_410 : i32
      %convert_element_type3A_412 = arith.extui %ge3A_411 : i1 to i32
      %cond3A_413 = arith.constant 0 : i32
      %cond3A_414 = arith.cmpi ne, %convert_element_type3A_412, %cond3A_413 : i32
      scf.if %cond3A_414 {
        %sub3A = arith.constant 2 : i32
        %sub3A_499 = arith.subi %add3A_409, %sub3A : i32
        %mul3A_500 = arith.constant 200 : i32
        %mul3A_501 = arith.muli %sub3A_499, %mul3A_500 : i32
        %add3A_502 = arith.addi %multiple_of3A, %mul3A_501 : i32
        %dma_wait3A_503 = arith.constant 0 : i32
        %dma_wait3A_504 = arith.constant 0 : i32
        %dma_wait3A_505 = arith.constant 0 : i32
        %dma_wait3A_506 = tpu.memref_slice %arg7[%dma_wait3A_503, %dma_wait3A_504, %dma_wait3A_505] : memref<3x200x128xf32, #tpu.memory_space<vmem>> -> memref<1x200x128xf32, #tpu.memory_space<vmem>>
        %dma_wait3A_507 = tpu.memref_squeeze %dma_wait3A_506 : memref<1x200x128xf32, #tpu.memory_space<vmem>> -> memref<200x128xf32, #tpu.memory_space<vmem>>
        %dma_wait3A_508 = arith.constant 0 : i32
        %dma_wait3A_509 = tpu.memref_slice %arg5[%add3A_502, %dma_wait3A_508] : memref<819200x128xf32, #tpu.memory_space<hbm>> -> memref<200x128xf32, #tpu.memory_space<hbm>>
        %dma_wait3A_510 = arith.constant 0 : i32
        %dma_wait3A_511 = tpu.memref_slice %arg5[%add3A_502, %dma_wait3A_510] : memref<819200x128xf32, #tpu.memory_space<hbm>> -> memref<200x128xf32, #tpu.memory_space<hbm>>
        %dma_wait3A_512 = arith.constant 0 : i32
        %dma_wait3A_513 = arith.constant 0 : i32
        %dma_wait3A_514 = tpu.memref_slice %arg7[%dma_wait3A_503, %dma_wait3A_512, %dma_wait3A_513] : memref<3x200x128xf32, #tpu.memory_space<vmem>> -> memref<1x200x128xf32, #tpu.memory_space<vmem>>
        %dma_wait3A_515 = tpu.memref_squeeze %dma_wait3A_514 : memref<1x200x128xf32, #tpu.memory_space<vmem>> -> memref<200x128xf32, #tpu.memory_space<vmem>>
        tpu.wait_dma2 semaphore(%arg10 : memref<!tpu.dma_semaphore, #tpu.memory_space<semaphore_mem>>) src(%dma_wait3A_515 : memref<200x128xf32, #tpu.memory_space<vmem>>) dst(%dma_wait3A_511 : memref<200x128xf32, #tpu.memory_space<hbm>>)
      } else {
      }
      %add3A_415 = arith.constant 1 : i32
      %add3A_416 = arith.addi %add3A_409, %add3A_415 : i32
      %mul3A_417 = arith.constant 200 : i32
      %mul3A_418 = arith.muli %add3A_416, %mul3A_417 : i32
      %multiple_of3A_419 = tpu.assume_multiple %mul3A_418, 8 : i32
      %add3A_420 = arith.constant 128 : i32
      %add3A_421 = arith.addi %multiple_of3A_419, %add3A_420 : i32
      %dma_start3A_422 = arith.constant 0 : i32
      %dma_start3A_423 = arith.constant 0 : i32
      %dma_start3A_424 = arith.constant 0 : i32
      %dma_start3A_425 = tpu.memref_slice %arg7[%dma_start3A_422, %dma_start3A_423, %dma_start3A_424] : memref<3x200x128xf32, #tpu.memory_space<vmem>> -> memref<1x200x128xf32, #tpu.memory_space<vmem>>
      %dma_start3A_426 = tpu.memref_squeeze %dma_start3A_425 : memref<1x200x128xf32, #tpu.memory_space<vmem>> -> memref<200x128xf32, #tpu.memory_space<vmem>>
      %dma_start3A_427 = arith.constant 0 : i32
      %dma_start3A_428 = arith.constant 0 : i32
      %dma_start3A_429 = tpu.memref_slice %dma_start3A_426[%dma_start3A_427, %dma_start3A_428] : memref<200x128xf32, #tpu.memory_space<vmem>> -> memref<128x128xf32, #tpu.memory_space<vmem>>
      %dma_start3A_430 = tpu.memref_slice %arg6[%multiple_of3A_419] : memref<25600xi32, #tpu.memory_space<vmem>> -> memref<128xi32, #tpu.memory_space<vmem>>
      %dma_start3A_431 = arith.constant 0 : i32
      %dma_start3A_432 = arith.constant 0 : i32
      %dma_start3A_433 = tpu.memref_slice %arg3[%dma_start3A_431, %dma_start3A_432] : memref<100000x128xf32, #tpu.memory_space<hbm>> -> memref<100000x128xf32, #tpu.memory_space<hbm>>
      tpu.enqueue_indirect_dma source(%dma_start3A_433 : memref<100000x128xf32, #tpu.memory_space<hbm>>) target(%dma_start3A_429 : memref<128x128xf32, #tpu.memory_space<vmem>>) offsets(%dma_start3A_430 : memref<128xi32, #tpu.memory_space<vmem>>) semaphore(%arg9 : memref<!tpu.dma_semaphore, #tpu.memory_space<semaphore_mem>>)
      %dma_start3A_434 = arith.constant 0 : i32
      %dma_start3A_435 = arith.constant 0 : i32
      %dma_start3A_436 = arith.constant 0 : i32
      %dma_start3A_437 = tpu.memref_slice %arg7[%dma_start3A_434, %dma_start3A_435, %dma_start3A_436] : memref<3x200x128xf32, #tpu.memory_space<vmem>> -> memref<1x200x128xf32, #tpu.memory_space<vmem>>
      %dma_start3A_438 = tpu.memref_squeeze %dma_start3A_437 : memref<1x200x128xf32, #tpu.memory_space<vmem>> -> memref<200x128xf32, #tpu.memory_space<vmem>>
      %dma_start3A_439 = arith.constant 128 : i32
      %dma_start3A_440 = arith.constant 0 : i32
      %dma_start3A_441 = tpu.memref_slice %dma_start3A_438[%dma_start3A_439, %dma_start3A_440] : memref<200x128xf32, #tpu.memory_space<vmem>> -> memref<72x128xf32, #tpu.memory_space<vmem>>
      %dma_start3A_442 = tpu.memref_slice %arg6[%add3A_421] : memref<25600xi32, #tpu.memory_space<vmem>> -> memref<72xi32, #tpu.memory_space<vmem>>
      %dma_start3A_443 = arith.constant 0 : i32
      %dma_start3A_444 = arith.constant 0 : i32
      %dma_start3A_445 = tpu.memref_slice %arg3[%dma_start3A_443, %dma_start3A_444] : memref<100000x128xf32, #tpu.memory_space<hbm>> -> memref<100000x128xf32, #tpu.memory_space<hbm>>
      tpu.enqueue_indirect_dma source(%dma_start3A_445 : memref<100000x128xf32, #tpu.memory_space<hbm>>) target(%dma_start3A_441 : memref<72x128xf32, #tpu.memory_space<vmem>>) offsets(%dma_start3A_442 : memref<72xi32, #tpu.memory_space<vmem>>) semaphore(%arg9 : memref<!tpu.dma_semaphore, #tpu.memory_space<semaphore_mem>>)
      %mul3A_446 = arith.constant 200 : i32
      %mul3A_447 = arith.muli %add3A_409, %mul3A_446 : i32
      %multiple_of3A_448 = tpu.assume_multiple %mul3A_447, 8 : i32
      %add3A_449 = arith.constant 128 : i32
      %add3A_450 = arith.addi %multiple_of3A_448, %add3A_449 : i32
      %dma_wait3A_451 = arith.constant 2 : i32
      %dma_wait3A_452 = arith.constant 0 : i32
      %dma_wait3A_453 = arith.constant 0 : i32
      %dma_wait3A_454 = tpu.memref_slice %arg7[%dma_wait3A_451, %dma_wait3A_452, %dma_wait3A_453] : memref<3x200x128xf32, #tpu.memory_space<vmem>> -> memref<1x200x128xf32, #tpu.memory_space<vmem>>
      %dma_wait3A_455 = tpu.memref_squeeze %dma_wait3A_454 : memref<1x200x128xf32, #tpu.memory_space<vmem>> -> memref<200x128xf32, #tpu.memory_space<vmem>>
      %dma_wait3A_456 = arith.constant 0 : i32
      %dma_wait3A_457 = arith.constant 0 : i32
      %dma_wait3A_458 = tpu.memref_slice %dma_wait3A_455[%dma_wait3A_456, %dma_wait3A_457] : memref<200x128xf32, #tpu.memory_space<vmem>> -> memref<128x128xf32, #tpu.memory_space<vmem>>
      %dma_wait3A_459 = tpu.memref_slice %arg6[%multiple_of3A_448] : memref<25600xi32, #tpu.memory_space<vmem>> -> memref<128xi32, #tpu.memory_space<vmem>>
      %dma_wait3A_460 = arith.constant 0 : i32
      %dma_wait3A_461 = arith.constant 0 : i32
      %dma_wait3A_462 = tpu.memref_slice %arg3[%dma_wait3A_460, %dma_wait3A_461] : memref<100000x128xf32, #tpu.memory_space<hbm>> -> memref<100000x128xf32, #tpu.memory_space<hbm>>
      tpu.wait_indirect_dma semaphore(%arg9 : memref<!tpu.dma_semaphore, #tpu.memory_space<semaphore_mem>>) src(%dma_wait3A_462 : memref<100000x128xf32, #tpu.memory_space<hbm>>) dst(%dma_wait3A_458 : memref<128x128xf32, #tpu.memory_space<vmem>>)
      %dma_wait3A_463 = arith.constant 2 : i32
      %dma_wait3A_464 = arith.constant 0 : i32
      %dma_wait3A_465 = arith.constant 0 : i32
      %dma_wait3A_466 = tpu.memref_slice %arg7[%dma_wait3A_463, %dma_wait3A_464, %dma_wait3A_465] : memref<3x200x128xf32, #tpu.memory_space<vmem>> -> memref<1x200x128xf32, #tpu.memory_space<vmem>>
      %dma_wait3A_467 = tpu.memref_squeeze %dma_wait3A_466 : memref<1x200x128xf32, #tpu.memory_space<vmem>> -> memref<200x128xf32, #tpu.memory_space<vmem>>
      %dma_wait3A_468 = arith.constant 128 : i32
      %dma_wait3A_469 = arith.constant 0 : i32
      %dma_wait3A_470 = tpu.memref_slice %dma_wait3A_467[%dma_wait3A_468, %dma_wait3A_469] : memref<200x128xf32, #tpu.memory_space<vmem>> -> memref<72x128xf32, #tpu.memory_space<vmem>>
      %dma_wait3A_471 = tpu.memref_slice %arg6[%add3A_450] : memref<25600xi32, #tpu.memory_space<vmem>> -> memref<72xi32, #tpu.memory_space<vmem>>
      %dma_wait3A_472 = arith.constant 0 : i32
      %dma_wait3A_473 = arith.constant 0 : i32
      %dma_wait3A_474 = tpu.memref_slice %arg3[%dma_wait3A_472, %dma_wait3A_473] : memref<100000x128xf32, #tpu.memory_space<hbm>> -> memref<100000x128xf32, #tpu.memory_space<hbm>>
      tpu.wait_indirect_dma semaphore(%arg9 : memref<!tpu.dma_semaphore, #tpu.memory_space<semaphore_mem>>) src(%dma_wait3A_474 : memref<100000x128xf32, #tpu.memory_space<hbm>>) dst(%dma_wait3A_470 : memref<72x128xf32, #tpu.memory_space<vmem>>)
      %scan3A_475 = arith.constant 0 : i32
      %scan3A_476 = arith.constant 0 : i32
      %scan3A_477 = arith.constant 200 : i32
      %scan3A_478 = arith.addi %scan3A_476, %scan3A_477 : i32
      %scan3A_479 = arith.constant 1 : i32
      %scan3A_480 = scf.for %scan3A_499 = %scan3A_476 to %scan3A_478 step %scan3A_479 iter_args(%scan3A_500 = %scan3A_475) -> (i32)  : i32 {
        %get3A = arith.index_cast %scan3A_499 : i32 to index
        %get3A_501 = arith.constant 0 : index
        %get3A_502 = tpu.vector_load %arg8[%get3A, %get3A_501] {strides = array<i32>} : memref<200x128xf32, #tpu.memory_space<vmem>>, vector<1x16xf32>,
        %get3A_503 = vector.shape_cast %get3A_502 : vector<1x16xf32> to vector<16xf32>
        %swap3A = arith.constant 2 : i32
        %swap3A_504 = arith.index_cast %swap3A : i32 to index
        %swap3A_505 = arith.index_cast %scan3A_499 : i32 to index
        %swap3A_506 = arith.constant 0 : index
        %swap3A_507 = tpu.vector_load %arg7[%swap3A_504, %swap3A_505, %swap3A_506] {strides = array<i32>} : memref<3x200x128xf32, #tpu.memory_space<vmem>>, vector<1x1x16xf32>,
        %swap3A_508 = vector.shape_cast %swap3A_507 : vector<1x1x16xf32> to vector<16xf32>
        %swap3A_509 = vector.shape_cast %get3A_503 : vector<16xf32> to vector<1x1x16xf32>
        tpu.vector_store %arg7[%swap3A_504, %swap3A_505, %swap3A_506], %swap3A_509 {add = true, strides = array<i32>} : memref<3x200x128xf32, #tpu.memory_space<vmem>>, vector<1x1x16xf32>,
        %get3A_510 = arith.index_cast %scan3A_499 : i32 to index
        %get3A_511 = arith.constant 16 : index
        %get3A_512 = tpu.vector_load %arg8[%get3A_510, %get3A_511] {strides = array<i32>} : memref<200x128xf32, #tpu.memory_space<vmem>>, vector<1x16xf32>,
        %get3A_513 = vector.shape_cast %get3A_512 : vector<1x16xf32> to vector<16xf32>
        %swap3A_514 = arith.constant 2 : i32
        %swap3A_515 = arith.index_cast %swap3A_514 : i32 to index
        %swap3A_516 = arith.index_cast %scan3A_499 : i32 to index
        %swap3A_517 = arith.constant 16 : index
        %swap3A_518 = tpu.vector_load %arg7[%swap3A_515, %swap3A_516, %swap3A_517] {strides = array<i32>} : memref<3x200x128xf32, #tpu.memory_space<vmem>>, vector<1x1x16xf32>,
        %swap3A_519 = vector.shape_cast %swap3A_518 : vector<1x1x16xf32> to vector<16xf32>
        %swap3A_520 = vector.shape_cast %get3A_513 : vector<16xf32> to vector<1x1x16xf32>
        tpu.vector_store %arg7[%swap3A_515, %swap3A_516, %swap3A_517], %swap3A_520 {add = true, strides = array<i32>} : memref<3x200x128xf32, #tpu.memory_space<vmem>>, vector<1x1x16xf32>,
        %get3A_521 = arith.index_cast %scan3A_499 : i32 to index
        %get3A_522 = arith.constant 32 : index
        %get3A_523 = tpu.vector_load %arg8[%get3A_521, %get3A_522] {strides = array<i32>} : memref<200x128xf32, #tpu.memory_space<vmem>>, vector<1x16xf32>,
        %get3A_524 = vector.shape_cast %get3A_523 : vector<1x16xf32> to vector<16xf32>
        %swap3A_525 = arith.constant 2 : i32
        %swap3A_526 = arith.index_cast %swap3A_525 : i32 to index
        %swap3A_527 = arith.index_cast %scan3A_499 : i32 to index
        %swap3A_528 = arith.constant 32 : index
        %swap3A_529 = tpu.vector_load %arg7[%swap3A_526, %swap3A_527, %swap3A_528] {strides = array<i32>} : memref<3x200x128xf32, #tpu.memory_space<vmem>>, vector<1x1x16xf32>,
        %swap3A_530 = vector.shape_cast %swap3A_529 : vector<1x1x16xf32> to vector<16xf32>
        %swap3A_531 = vector.shape_cast %get3A_524 : vector<16xf32> to vector<1x1x16xf32>
        tpu.vector_store %arg7[%swap3A_526, %swap3A_527, %swap3A_528], %swap3A_531 {add = true, strides = array<i32>} : memref<3x200x128xf32, #tpu.memory_space<vmem>>, vector<1x1x16xf32>,
        %get3A_532 = arith.index_cast %scan3A_499 : i32 to index
        %get3A_533 = arith.constant 48 : index
        %get3A_534 = tpu.vector_load %arg8[%get3A_532, %get3A_533] {strides = array<i32>} : memref<200x128xf32, #tpu.memory_space<vmem>>, vector<1x16xf32>,
        %get3A_535 = vector.shape_cast %get3A_534 : vector<1x16xf32> to vector<16xf32>
        %swap3A_536 = arith.constant 2 : i32
        %swap3A_537 = arith.index_cast %swap3A_536 : i32 to index
        %swap3A_538 = arith.index_cast %scan3A_499 : i32 to index
        %swap3A_539 = arith.constant 48 : index
        %swap3A_540 = tpu.vector_load %arg7[%swap3A_537, %swap3A_538, %swap3A_539] {strides = array<i32>} : memref<3x200x128xf32, #tpu.memory_space<vmem>>, vector<1x1x16xf32>,
        %swap3A_541 = vector.shape_cast %swap3A_540 : vector<1x1x16xf32> to vector<16xf32>
        %swap3A_542 = vector.shape_cast %get3A_535 : vector<16xf32> to vector<1x1x16xf32>
        tpu.vector_store %arg7[%swap3A_537, %swap3A_538, %swap3A_539], %swap3A_542 {add = true, strides = array<i32>} : memref<3x200x128xf32, #tpu.memory_space<vmem>>, vector<1x1x16xf32>,
        %get3A_543 = arith.index_cast %scan3A_499 : i32 to index
        %get3A_544 = arith.constant 64 : index
        %get3A_545 = tpu.vector_load %arg8[%get3A_543, %get3A_544] {strides = array<i32>} : memref<200x128xf32, #tpu.memory_space<vmem>>, vector<1x16xf32>,
        %get3A_546 = vector.shape_cast %get3A_545 : vector<1x16xf32> to vector<16xf32>
        %swap3A_547 = arith.constant 2 : i32
        %swap3A_548 = arith.index_cast %swap3A_547 : i32 to index
        %swap3A_549 = arith.index_cast %scan3A_499 : i32 to index
        %swap3A_550 = arith.constant 64 : index
        %swap3A_551 = tpu.vector_load %arg7[%swap3A_548, %swap3A_549, %swap3A_550] {strides = array<i32>} : memref<3x200x128xf32, #tpu.memory_space<vmem>>, vector<1x1x16xf32>,
        %swap3A_552 = vector.shape_cast %swap3A_551 : vector<1x1x16xf32> to vector<16xf32>
        %swap3A_553 = vector.shape_cast %get3A_546 : vector<16xf32> to vector<1x1x16xf32>
        tpu.vector_store %arg7[%swap3A_548, %swap3A_549, %swap3A_550], %swap3A_553 {add = true, strides = array<i32>} : memref<3x200x128xf32, #tpu.memory_space<vmem>>, vector<1x1x16xf32>,
        %get3A_554 = arith.index_cast %scan3A_499 : i32 to index
        %get3A_555 = arith.constant 80 : index
        %get3A_556 = tpu.vector_load %arg8[%get3A_554, %get3A_555] {strides = array<i32>} : memref<200x128xf32, #tpu.memory_space<vmem>>, vector<1x16xf32>,
        %get3A_557 = vector.shape_cast %get3A_556 : vector<1x16xf32> to vector<16xf32>
        %swap3A_558 = arith.constant 2 : i32
        %swap3A_559 = arith.index_cast %swap3A_558 : i32 to index
        %swap3A_560 = arith.index_cast %scan3A_499 : i32 to index
        %swap3A_561 = arith.constant 80 : index
        %swap3A_562 = tpu.vector_load %arg7[%swap3A_559, %swap3A_560, %swap3A_561] {strides = array<i32>} : memref<3x200x128xf32, #tpu.memory_space<vmem>>, vector<1x1x16xf32>,
        %swap3A_563 = vector.shape_cast %swap3A_562 : vector<1x1x16xf32> to vector<16xf32>
        %swap3A_564 = vector.shape_cast %get3A_557 : vector<16xf32> to vector<1x1x16xf32>
        tpu.vector_store %arg7[%swap3A_559, %swap3A_560, %swap3A_561], %swap3A_564 {add = true, strides = array<i32>} : memref<3x200x128xf32, #tpu.memory_space<vmem>>, vector<1x1x16xf32>,
        %get3A_565 = arith.index_cast %scan3A_499 : i32 to index
        %get3A_566 = arith.constant 96 : index
        %get3A_567 = tpu.vector_load %arg8[%get3A_565, %get3A_566] {strides = array<i32>} : memref<200x128xf32, #tpu.memory_space<vmem>>, vector<1x16xf32>,
        %get3A_568 = vector.shape_cast %get3A_567 : vector<1x16xf32> to vector<16xf32>
        %swap3A_569 = arith.constant 2 : i32
        %swap3A_570 = arith.index_cast %swap3A_569 : i32 to index
        %swap3A_571 = arith.index_cast %scan3A_499 : i32 to index
        %swap3A_572 = arith.constant 96 : index
        %swap3A_573 = tpu.vector_load %arg7[%swap3A_570, %swap3A_571, %swap3A_572] {strides = array<i32>} : memref<3x200x128xf32, #tpu.memory_space<vmem>>, vector<1x1x16xf32>,
        %swap3A_574 = vector.shape_cast %swap3A_573 : vector<1x1x16xf32> to vector<16xf32>
        %swap3A_575 = vector.shape_cast %get3A_568 : vector<16xf32> to vector<1x1x16xf32>
        tpu.vector_store %arg7[%swap3A_570, %swap3A_571, %swap3A_572], %swap3A_575 {add = true, strides = array<i32>} : memref<3x200x128xf32, #tpu.memory_space<vmem>>, vector<1x1x16xf32>,
        %get3A_576 = arith.index_cast %scan3A_499 : i32 to index
        %get3A_577 = arith.constant 112 : index
        %get3A_578 = tpu.vector_load %arg8[%get3A_576, %get3A_577] {strides = array<i32>} : memref<200x128xf32, #tpu.memory_space<vmem>>, vector<1x16xf32>,
        %get3A_579 = vector.shape_cast %get3A_578 : vector<1x16xf32> to vector<16xf32>
        %swap3A_580 = arith.constant 2 : i32
        %swap3A_581 = arith.index_cast %swap3A_580 : i32 to index
        %swap3A_582 = arith.index_cast %scan3A_499 : i32 to index
        %swap3A_583 = arith.constant 112 : index
        %swap3A_584 = tpu.vector_load %arg7[%swap3A_581, %swap3A_582, %swap3A_583] {strides = array<i32>} : memref<3x200x128xf32, #tpu.memory_space<vmem>>, vector<1x1x16xf32>,
        %swap3A_585 = vector.shape_cast %swap3A_584 : vector<1x1x16xf32> to vector<16xf32>
        %swap3A_586 = vector.shape_cast %get3A_579 : vector<16xf32> to vector<1x1x16xf32>
        tpu.vector_store %arg7[%swap3A_581, %swap3A_582, %swap3A_583], %swap3A_586 {add = true, strides = array<i32>} : memref<3x200x128xf32, #tpu.memory_space<vmem>>, vector<1x1x16xf32>,
        %scan3A_587 = arith.constant 0 : i32
        scf.yield %scan3A_587 : i32
      }
      %scan3A_481 = arith.constant 200 : i32
      %mul3A_482 = arith.constant 200 : i32
      %mul3A_483 = arith.muli %add3A_409, %mul3A_482 : i32
      %add3A_484 = arith.addi %multiple_of3A, %mul3A_483 : i32
      %dma_start3A_485 = arith.constant 2 : i32
      %dma_start3A_486 = arith.constant 0 : i32
      %dma_start3A_487 = arith.constant 0 : i32
      %dma_start3A_488 = tpu.memref_slice %arg7[%dma_start3A_485, %dma_start3A_486, %dma_start3A_487] : memref<3x200x128xf32, #tpu.memory_space<vmem>> -> memref<1x200x128xf32, #tpu.memory_space<vmem>>
      %dma_start3A_489 = tpu.memref_squeeze %dma_start3A_488 : memref<1x200x128xf32, #tpu.memory_space<vmem>> -> memref<200x128xf32, #tpu.memory_space<vmem>>
      %dma_start3A_490 = arith.constant 0 : i32
      %dma_start3A_491 = tpu.memref_slice %arg5[%add3A_484, %dma_start3A_490] : memref<819200x128xf32, #tpu.memory_space<hbm>> -> memref<200x128xf32, #tpu.memory_space<hbm>>
      %dma_start3A_492 = arith.constant 0 : i32
      %dma_start3A_493 = tpu.memref_slice %arg5[%add3A_484, %dma_start3A_492] : memref<819200x128xf32, #tpu.memory_space<hbm>> -> memref<200x128xf32, #tpu.memory_space<hbm>>
      %dma_start3A_494 = arith.constant 0 : i32
      %dma_start3A_495 = arith.constant 0 : i32
      %dma_start3A_496 = tpu.memref_slice %arg7[%dma_start3A_485, %dma_start3A_494, %dma_start3A_495] : memref<3x200x128xf32, #tpu.memory_space<vmem>> -> memref<1x200x128xf32, #tpu.memory_space<vmem>>
      %dma_start3A_497 = tpu.memref_squeeze %dma_start3A_496 : memref<1x200x128xf32, #tpu.memory_space<vmem>> -> memref<200x128xf32, #tpu.memory_space<vmem>>
      tpu.enqueue_dma source(%dma_start3A_497 : memref<200x128xf32, #tpu.memory_space<vmem>>) target(%dma_start3A_493 : memref<200x128xf32, #tpu.memory_space<hbm>>) target_semaphore(%arg10 : memref<!tpu.dma_semaphore, #tpu.memory_space<semaphore_mem>>)
      %scan3A_498 = arith.constant 0 : i32
      scf.yield %scan3A_498 : i32
    }
    %scan3A_35 = arith.constant 42 : i32
    %add3A_36 = arith.constant 24800 : i32
    %add3A_37 = arith.addi %multiple_of3A, %add3A_36 : i32
    %dma_wait3A = arith.constant 1 : i32
    %dma_wait3A_38 = arith.constant 0 : i32
    %dma_wait3A_39 = arith.constant 0 : i32
    %dma_wait3A_40 = tpu.memref_slice %arg7[%dma_wait3A, %dma_wait3A_38, %dma_wait3A_39] : memref<3x200x128xf32, #tpu.memory_space<vmem>> -> memref<1x200x128xf32, #tpu.memory_space<vmem>>
    %dma_wait3A_41 = tpu.memref_squeeze %dma_wait3A_40 : memref<1x200x128xf32, #tpu.memory_space<vmem>> -> memref<200x128xf32, #tpu.memory_space<vmem>>
    %dma_wait3A_42 = arith.constant 0 : i32
    %dma_wait3A_43 = tpu.memref_slice %arg5[%add3A_37, %dma_wait3A_42] : memref<819200x128xf32, #tpu.memory_space<hbm>> -> memref<200x128xf32, #tpu.memory_space<hbm>>
    %dma_wait3A_44 = arith.constant 0 : i32
    %dma_wait3A_45 = tpu.memref_slice %arg5[%add3A_37, %dma_wait3A_44] : memref<819200x128xf32, #tpu.memory_space<hbm>> -> memref<200x128xf32, #tpu.memory_space<hbm>>
    %dma_wait3A_46 = arith.constant 0 : i32
    %dma_wait3A_47 = arith.constant 0 : i32
    %dma_wait3A_48 = tpu.memref_slice %arg7[%dma_wait3A, %dma_wait3A_46, %dma_wait3A_47] : memref<3x200x128xf32, #tpu.memory_space<vmem>> -> memref<1x200x128xf32, #tpu.memory_space<vmem>>
    %dma_wait3A_49 = tpu.memref_squeeze %dma_wait3A_48 : memref<1x200x128xf32, #tpu.memory_space<vmem>> -> memref<200x128xf32, #tpu.memory_space<vmem>>
    tpu.wait_dma2 semaphore(%arg10 : memref<!tpu.dma_semaphore, #tpu.memory_space<semaphore_mem>>) src(%dma_wait3A_49 : memref<200x128xf32, #tpu.memory_space<vmem>>) dst(%dma_wait3A_45 : memref<200x128xf32, #tpu.memory_space<hbm>>)
    %multiple_of3A_50 = arith.constant 25400 : i32
    %multiple_of3A_51 = tpu.assume_multiple %multiple_of3A_50, 8 : i32
    %add3A_52 = arith.constant 128 : i32
    %add3A_53 = arith.addi %multiple_of3A_51, %add3A_52 : i32
    %dma_start3A_54 = arith.constant 1 : i32
    %dma_start3A_55 = arith.constant 0 : i32
    %dma_start3A_56 = arith.constant 0 : i32
    %dma_start3A_57 = tpu.memref_slice %arg7[%dma_start3A_54, %dma_start3A_55, %dma_start3A_56] : memref<3x200x128xf32, #tpu.memory_space<vmem>> -> memref<1x200x128xf32, #tpu.memory_space<vmem>>
    %dma_start3A_58 = tpu.memref_squeeze %dma_start3A_57 : memref<1x200x128xf32, #tpu.memory_space<vmem>> -> memref<200x128xf32, #tpu.memory_space<vmem>>
    %dma_start3A_59 = arith.constant 0 : i32
    %dma_start3A_60 = arith.constant 0 : i32
    %dma_start3A_61 = tpu.memref_slice %dma_start3A_58[%dma_start3A_59, %dma_start3A_60] : memref<200x128xf32, #tpu.memory_space<vmem>> -> memref<128x128xf32, #tpu.memory_space<vmem>>
    %dma_start3A_62 = tpu.memref_slice %arg6[%multiple_of3A_51] : memref<25600xi32, #tpu.memory_space<vmem>> -> memref<128xi32, #tpu.memory_space<vmem>>
    %dma_start3A_63 = arith.constant 0 : i32
    %dma_start3A_64 = arith.constant 0 : i32
    %dma_start3A_65 = tpu.memref_slice %arg3[%dma_start3A_63, %dma_start3A_64] : memref<100000x128xf32, #tpu.memory_space<hbm>> -> memref<100000x128xf32, #tpu.memory_space<hbm>>
    tpu.enqueue_indirect_dma source(%dma_start3A_65 : memref<100000x128xf32, #tpu.memory_space<hbm>>) target(%dma_start3A_61 : memref<128x128xf32, #tpu.memory_space<vmem>>) offsets(%dma_start3A_62 : memref<128xi32, #tpu.memory_space<vmem>>) semaphore(%arg9 : memref<!tpu.dma_semaphore, #tpu.memory_space<semaphore_mem>>)
    %dma_start3A_66 = arith.constant 1 : i32
    %dma_start3A_67 = arith.constant 0 : i32
    %dma_start3A_68 = arith.constant 0 : i32
    %dma_start3A_69 = tpu.memref_slice %arg7[%dma_start3A_66, %dma_start3A_67, %dma_start3A_68] : memref<3x200x128xf32, #tpu.memory_space<vmem>> -> memref<1x200x128xf32, #tpu.memory_space<vmem>>
    %dma_start3A_70 = tpu.memref_squeeze %dma_start3A_69 : memref<1x200x128xf32, #tpu.memory_space<vmem>> -> memref<200x128xf32, #tpu.memory_space<vmem>>
    %dma_start3A_71 = arith.constant 128 : i32
    %dma_start3A_72 = arith.constant 0 : i32
    %dma_start3A_73 = tpu.memref_slice %dma_start3A_70[%dma_start3A_71, %dma_start3A_72] : memref<200x128xf32, #tpu.memory_space<vmem>> -> memref<72x128xf32, #tpu.memory_space<vmem>>
    %dma_start3A_74 = tpu.memref_slice %arg6[%add3A_53] : memref<25600xi32, #tpu.memory_space<vmem>> -> memref<72xi32, #tpu.memory_space<vmem>>
    %dma_start3A_75 = arith.constant 0 : i32
    %dma_start3A_76 = arith.constant 0 : i32
    %dma_start3A_77 = tpu.memref_slice %arg3[%dma_start3A_75, %dma_start3A_76] : memref<100000x128xf32, #tpu.memory_space<hbm>> -> memref<100000x128xf32, #tpu.memory_space<hbm>>
    tpu.enqueue_indirect_dma source(%dma_start3A_77 : memref<100000x128xf32, #tpu.memory_space<hbm>>) target(%dma_start3A_73 : memref<72x128xf32, #tpu.memory_space<vmem>>) offsets(%dma_start3A_74 : memref<72xi32, #tpu.memory_space<vmem>>) semaphore(%arg9 : memref<!tpu.dma_semaphore, #tpu.memory_space<semaphore_mem>>)
    %multiple_of3A_78 = arith.constant 25200 : i32
    %multiple_of3A_79 = tpu.assume_multiple %multiple_of3A_78, 8 : i32
    %add3A_80 = arith.constant 128 : i32
    %add3A_81 = arith.addi %multiple_of3A_79, %add3A_80 : i32
    %dma_wait3A_82 = arith.constant 0 : i32
    %dma_wait3A_83 = arith.constant 0 : i32
    %dma_wait3A_84 = arith.constant 0 : i32
    %dma_wait3A_85 = tpu.memref_slice %arg7[%dma_wait3A_82, %dma_wait3A_83, %dma_wait3A_84] : memref<3x200x128xf32, #tpu.memory_space<vmem>> -> memref<1x200x128xf32, #tpu.memory_space<vmem>>
    %dma_wait3A_86 = tpu.memref_squeeze %dma_wait3A_85 : memref<1x200x128xf32, #tpu.memory_space<vmem>> -> memref<200x128xf32, #tpu.memory_space<vmem>>
    %dma_wait3A_87 = arith.constant 0 : i32
    %dma_wait3A_88 = arith.constant 0 : i32
    %dma_wait3A_89 = tpu.memref_slice %dma_wait3A_86[%dma_wait3A_87, %dma_wait3A_88] : memref<200x128xf32, #tpu.memory_space<vmem>> -> memref<128x128xf32, #tpu.memory_space<vmem>>
    %dma_wait3A_90 = tpu.memref_slice %arg6[%multiple_of3A_79] : memref<25600xi32, #tpu.memory_space<vmem>> -> memref<128xi32, #tpu.memory_space<vmem>>
    %dma_wait3A_91 = arith.constant 0 : i32
    %dma_wait3A_92 = arith.constant 0 : i32
    %dma_wait3A_93 = tpu.memref_slice %arg3[%dma_wait3A_91, %dma_wait3A_92] : memref<100000x128xf32, #tpu.memory_space<hbm>> -> memref<100000x128xf32, #tpu.memory_space<hbm>>
    tpu.wait_indirect_dma semaphore(%arg9 : memref<!tpu.dma_semaphore, #tpu.memory_space<semaphore_mem>>) src(%dma_wait3A_93 : memref<100000x128xf32, #tpu.memory_space<hbm>>) dst(%dma_wait3A_89 : memref<128x128xf32, #tpu.memory_space<vmem>>)
    %dma_wait3A_94 = arith.constant 0 : i32
    %dma_wait3A_95 = arith.constant 0 : i32
    %dma_wait3A_96 = arith.constant 0 : i32
    %dma_wait3A_97 = tpu.memref_slice %arg7[%dma_wait3A_94, %dma_wait3A_95, %dma_wait3A_96] : memref<3x200x128xf32, #tpu.memory_space<vmem>> -> memref<1x200x128xf32, #tpu.memory_space<vmem>>
    %dma_wait3A_98 = tpu.memref_squeeze %dma_wait3A_97 : memref<1x200x128xf32, #tpu.memory_space<vmem>> -> memref<200x128xf32, #tpu.memory_space<vmem>>
    %dma_wait3A_99 = arith.constant 128 : i32
    %dma_wait3A_100 = arith.constant 0 : i32
    %dma_wait3A_101 = tpu.memref_slice %dma_wait3A_98[%dma_wait3A_99, %dma_wait3A_100] : memref<200x128xf32, #tpu.memory_space<vmem>> -> memref<72x128xf32, #tpu.memory_space<vmem>>
    %dma_wait3A_102 = tpu.memref_slice %arg6[%add3A_81] : memref<25600xi32, #tpu.memory_space<vmem>> -> memref<72xi32, #tpu.memory_space<vmem>>
    %dma_wait3A_103 = arith.constant 0 : i32
    %dma_wait3A_104 = arith.constant 0 : i32
    %dma_wait3A_105 = tpu.memref_slice %arg3[%dma_wait3A_103, %dma_wait3A_104] : memref<100000x128xf32, #tpu.memory_space<hbm>> -> memref<100000x128xf32, #tpu.memory_space<hbm>>
    tpu.wait_indirect_dma semaphore(%arg9 : memref<!tpu.dma_semaphore, #tpu.memory_space<semaphore_mem>>) src(%dma_wait3A_105 : memref<100000x128xf32, #tpu.memory_space<hbm>>) dst(%dma_wait3A_101 : memref<72x128xf32, #tpu.memory_space<vmem>>)
    %scan3A_106 = arith.constant 0 : i32
    %scan3A_107 = arith.constant 0 : i32
    %scan3A_108 = arith.constant 200 : i32
    %scan3A_109 = arith.addi %scan3A_107, %scan3A_108 : i32
    %scan3A_110 = arith.constant 1 : i32
    %scan3A_111 = scf.for %scan3A_223 = %scan3A_107 to %scan3A_109 step %scan3A_110 iter_args(%scan3A_224 = %scan3A_106) -> (i32)  : i32 {
      %get3A = arith.index_cast %scan3A_223 : i32 to index
      %get3A_225 = arith.constant 0 : index
      %get3A_226 = tpu.vector_load %arg8[%get3A, %get3A_225] {strides = array<i32>} : memref<200x128xf32, #tpu.memory_space<vmem>>, vector<1x16xf32>,
      %get3A_227 = vector.shape_cast %get3A_226 : vector<1x16xf32> to vector<16xf32>
      %swap3A = arith.constant 0 : i32
      %swap3A_228 = arith.index_cast %swap3A : i32 to index
      %swap3A_229 = arith.index_cast %scan3A_223 : i32 to index
      %swap3A_230 = arith.constant 0 : index
      %swap3A_231 = tpu.vector_load %arg7[%swap3A_228, %swap3A_229, %swap3A_230] {strides = array<i32>} : memref<3x200x128xf32, #tpu.memory_space<vmem>>, vector<1x1x16xf32>,
      %swap3A_232 = vector.shape_cast %swap3A_231 : vector<1x1x16xf32> to vector<16xf32>
      %swap3A_233 = vector.shape_cast %get3A_227 : vector<16xf32> to vector<1x1x16xf32>
      tpu.vector_store %arg7[%swap3A_228, %swap3A_229, %swap3A_230], %swap3A_233 {add = true, strides = array<i32>} : memref<3x200x128xf32, #tpu.memory_space<vmem>>, vector<1x1x16xf32>,
      %get3A_234 = arith.index_cast %scan3A_223 : i32 to index
      %get3A_235 = arith.constant 16 : index
      %get3A_236 = tpu.vector_load %arg8[%get3A_234, %get3A_235] {strides = array<i32>} : memref<200x128xf32, #tpu.memory_space<vmem>>, vector<1x16xf32>,
      %get3A_237 = vector.shape_cast %get3A_236 : vector<1x16xf32> to vector<16xf32>
      %swap3A_238 = arith.constant 0 : i32
      %swap3A_239 = arith.index_cast %swap3A_238 : i32 to index
      %swap3A_240 = arith.index_cast %scan3A_223 : i32 to index
      %swap3A_241 = arith.constant 16 : index
      %swap3A_242 = tpu.vector_load %arg7[%swap3A_239, %swap3A_240, %swap3A_241] {strides = array<i32>} : memref<3x200x128xf32, #tpu.memory_space<vmem>>, vector<1x1x16xf32>,
      %swap3A_243 = vector.shape_cast %swap3A_242 : vector<1x1x16xf32> to vector<16xf32>
      %swap3A_244 = vector.shape_cast %get3A_237 : vector<16xf32> to vector<1x1x16xf32>
      tpu.vector_store %arg7[%swap3A_239, %swap3A_240, %swap3A_241], %swap3A_244 {add = true, strides = array<i32>} : memref<3x200x128xf32, #tpu.memory_space<vmem>>, vector<1x1x16xf32>,
      %get3A_245 = arith.index_cast %scan3A_223 : i32 to index
      %get3A_246 = arith.constant 32 : index
      %get3A_247 = tpu.vector_load %arg8[%get3A_245, %get3A_246] {strides = array<i32>} : memref<200x128xf32, #tpu.memory_space<vmem>>, vector<1x16xf32>,
      %get3A_248 = vector.shape_cast %get3A_247 : vector<1x16xf32> to vector<16xf32>
      %swap3A_249 = arith.constant 0 : i32
      %swap3A_250 = arith.index_cast %swap3A_249 : i32 to index
      %swap3A_251 = arith.index_cast %scan3A_223 : i32 to index
      %swap3A_252 = arith.constant 32 : index
      %swap3A_253 = tpu.vector_load %arg7[%swap3A_250, %swap3A_251, %swap3A_252] {strides = array<i32>} : memref<3x200x128xf32, #tpu.memory_space<vmem>>, vector<1x1x16xf32>,
      %swap3A_254 = vector.shape_cast %swap3A_253 : vector<1x1x16xf32> to vector<16xf32>
      %swap3A_255 = vector.shape_cast %get3A_248 : vector<16xf32> to vector<1x1x16xf32>
      tpu.vector_store %arg7[%swap3A_250, %swap3A_251, %swap3A_252], %swap3A_255 {add = true, strides = array<i32>} : memref<3x200x128xf32, #tpu.memory_space<vmem>>, vector<1x1x16xf32>,
      %get3A_256 = arith.index_cast %scan3A_223 : i32 to index
      %get3A_257 = arith.constant 48 : index
      %get3A_258 = tpu.vector_load %arg8[%get3A_256, %get3A_257] {strides = array<i32>} : memref<200x128xf32, #tpu.memory_space<vmem>>, vector<1x16xf32>,
      %get3A_259 = vector.shape_cast %get3A_258 : vector<1x16xf32> to vector<16xf32>
      %swap3A_260 = arith.constant 0 : i32
      %swap3A_261 = arith.index_cast %swap3A_260 : i32 to index
      %swap3A_262 = arith.index_cast %scan3A_223 : i32 to index
      %swap3A_263 = arith.constant 48 : index
      %swap3A_264 = tpu.vector_load %arg7[%swap3A_261, %swap3A_262, %swap3A_263] {strides = array<i32>} : memref<3x200x128xf32, #tpu.memory_space<vmem>>, vector<1x1x16xf32>,
      %swap3A_265 = vector.shape_cast %swap3A_264 : vector<1x1x16xf32> to vector<16xf32>
      %swap3A_266 = vector.shape_cast %get3A_259 : vector<16xf32> to vector<1x1x16xf32>
      tpu.vector_store %arg7[%swap3A_261, %swap3A_262, %swap3A_263], %swap3A_266 {add = true, strides = array<i32>} : memref<3x200x128xf32, #tpu.memory_space<vmem>>, vector<1x1x16xf32>,
      %get3A_267 = arith.index_cast %scan3A_223 : i32 to index
      %get3A_268 = arith.constant 64 : index
      %get3A_269 = tpu.vector_load %arg8[%get3A_267, %get3A_268] {strides = array<i32>} : memref<200x128xf32, #tpu.memory_space<vmem>>, vector<1x16xf32>,
      %get3A_270 = vector.shape_cast %get3A_269 : vector<1x16xf32> to vector<16xf32>
      %swap3A_271 = arith.constant 0 : i32
      %swap3A_272 = arith.index_cast %swap3A_271 : i32 to index
      %swap3A_273 = arith.index_cast %scan3A_223 : i32 to index
      %swap3A_274 = arith.constant 64 : index
      %swap3A_275 = tpu.vector_load %arg7[%swap3A_272, %swap3A_273, %swap3A_274] {strides = array<i32>} : memref<3x200x128xf32, #tpu.memory_space<vmem>>, vector<1x1x16xf32>,
      %swap3A_276 = vector.shape_cast %swap3A_275 : vector<1x1x16xf32> to vector<16xf32>
      %swap3A_277 = vector.shape_cast %get3A_270 : vector<16xf32> to vector<1x1x16xf32>
      tpu.vector_store %arg7[%swap3A_272, %swap3A_273, %swap3A_274], %swap3A_277 {add = true, strides = array<i32>} : memref<3x200x128xf32, #tpu.memory_space<vmem>>, vector<1x1x16xf32>,
      %get3A_278 = arith.index_cast %scan3A_223 : i32 to index
      %get3A_279 = arith.constant 80 : index
      %get3A_280 = tpu.vector_load %arg8[%get3A_278, %get3A_279] {strides = array<i32>} : memref<200x128xf32, #tpu.memory_space<vmem>>, vector<1x16xf32>,
      %get3A_281 = vector.shape_cast %get3A_280 : vector<1x16xf32> to vector<16xf32>
      %swap3A_282 = arith.constant 0 : i32
      %swap3A_283 = arith.index_cast %swap3A_282 : i32 to index
      %swap3A_284 = arith.index_cast %scan3A_223 : i32 to index
      %swap3A_285 = arith.constant 80 : index
      %swap3A_286 = tpu.vector_load %arg7[%swap3A_283, %swap3A_284, %swap3A_285] {strides = array<i32>} : memref<3x200x128xf32, #tpu.memory_space<vmem>>, vector<1x1x16xf32>,
      %swap3A_287 = vector.shape_cast %swap3A_286 : vector<1x1x16xf32> to vector<16xf32>
      %swap3A_288 = vector.shape_cast %get3A_281 : vector<16xf32> to vector<1x1x16xf32>
      tpu.vector_store %arg7[%swap3A_283, %swap3A_284, %swap3A_285], %swap3A_288 {add = true, strides = array<i32>} : memref<3x200x128xf32, #tpu.memory_space<vmem>>, vector<1x1x16xf32>,
      %get3A_289 = arith.index_cast %scan3A_223 : i32 to index
      %get3A_290 = arith.constant 96 : index
      %get3A_291 = tpu.vector_load %arg8[%get3A_289, %get3A_290] {strides = array<i32>} : memref<200x128xf32, #tpu.memory_space<vmem>>, vector<1x16xf32>,
      %get3A_292 = vector.shape_cast %get3A_291 : vector<1x16xf32> to vector<16xf32>
      %swap3A_293 = arith.constant 0 : i32
      %swap3A_294 = arith.index_cast %swap3A_293 : i32 to index
      %swap3A_295 = arith.index_cast %scan3A_223 : i32 to index
      %swap3A_296 = arith.constant 96 : index
      %swap3A_297 = tpu.vector_load %arg7[%swap3A_294, %swap3A_295, %swap3A_296] {strides = array<i32>} : memref<3x200x128xf32, #tpu.memory_space<vmem>>, vector<1x1x16xf32>,
      %swap3A_298 = vector.shape_cast %swap3A_297 : vector<1x1x16xf32> to vector<16xf32>
      %swap3A_299 = vector.shape_cast %get3A_292 : vector<16xf32> to vector<1x1x16xf32>
      tpu.vector_store %arg7[%swap3A_294, %swap3A_295, %swap3A_296], %swap3A_299 {add = true, strides = array<i32>} : memref<3x200x128xf32, #tpu.memory_space<vmem>>, vector<1x1x16xf32>,
      %get3A_300 = arith.index_cast %scan3A_223 : i32 to index
      %get3A_301 = arith.constant 112 : index
      %get3A_302 = tpu.vector_load %arg8[%get3A_300, %get3A_301] {strides = array<i32>} : memref<200x128xf32, #tpu.memory_space<vmem>>, vector<1x16xf32>,
      %get3A_303 = vector.shape_cast %get3A_302 : vector<1x16xf32> to vector<16xf32>
      %swap3A_304 = arith.constant 0 : i32
      %swap3A_305 = arith.index_cast %swap3A_304 : i32 to index
      %swap3A_306 = arith.index_cast %scan3A_223 : i32 to index
      %swap3A_307 = arith.constant 112 : index
      %swap3A_308 = tpu.vector_load %arg7[%swap3A_305, %swap3A_306, %swap3A_307] {strides = array<i32>} : memref<3x200x128xf32, #tpu.memory_space<vmem>>, vector<1x1x16xf32>,
      %swap3A_309 = vector.shape_cast %swap3A_308 : vector<1x1x16xf32> to vector<16xf32>
      %swap3A_310 = vector.shape_cast %get3A_303 : vector<16xf32> to vector<1x1x16xf32>
      tpu.vector_store %arg7[%swap3A_305, %swap3A_306, %swap3A_307], %swap3A_310 {add = true, strides = array<i32>} : memref<3x200x128xf32, #tpu.memory_space<vmem>>, vector<1x1x16xf32>,
      %scan3A_311 = arith.constant 0 : i32
      scf.yield %scan3A_311 : i32
    }
    %scan3A_112 = arith.constant 200 : i32
    %add3A_113 = arith.constant 25200 : i32
    %add3A_114 = arith.addi %multiple_of3A, %add3A_113 : i32
    %dma_start3A_115 = arith.constant 0 : i32
    %dma_start3A_116 = arith.constant 0 : i32
    %dma_start3A_117 = arith.constant 0 : i32
    %dma_start3A_118 = tpu.memref_slice %arg7[%dma_start3A_115, %dma_start3A_116, %dma_start3A_117] : memref<3x200x128xf32, #tpu.memory_space<vmem>> -> memref<1x200x128xf32, #tpu.memory_space<vmem>>
    %dma_start3A_119 = tpu.memref_squeeze %dma_start3A_118 : memref<1x200x128xf32, #tpu.memory_space<vmem>> -> memref<200x128xf32, #tpu.memory_space<vmem>>
    %dma_start3A_120 = arith.constant 0 : i32
    %dma_start3A_121 = tpu.memref_slice %arg5[%add3A_114, %dma_start3A_120] : memref<819200x128xf32, #tpu.memory_space<hbm>> -> memref<200x128xf32, #tpu.memory_space<hbm>>
    %dma_start3A_122 = arith.constant 0 : i32
    %dma_start3A_123 = tpu.memref_slice %arg5[%add3A_114, %dma_start3A_122] : memref<819200x128xf32, #tpu.memory_space<hbm>> -> memref<200x128xf32, #tpu.memory_space<hbm>>
    %dma_start3A_124 = arith.constant 0 : i32
    %dma_start3A_125 = arith.constant 0 : i32
    %dma_start3A_126 = tpu.memref_slice %arg7[%dma_start3A_115, %dma_start3A_124, %dma_start3A_125] : memref<3x200x128xf32, #tpu.memory_space<vmem>> -> memref<1x200x128xf32, #tpu.memory_space<vmem>>
    %dma_start3A_127 = tpu.memref_squeeze %dma_start3A_126 : memref<1x200x128xf32, #tpu.memory_space<vmem>> -> memref<200x128xf32, #tpu.memory_space<vmem>>
    tpu.enqueue_dma source(%dma_start3A_127 : memref<200x128xf32, #tpu.memory_space<vmem>>) target(%dma_start3A_123 : memref<200x128xf32, #tpu.memory_space<hbm>>) target_semaphore(%arg10 : memref<!tpu.dma_semaphore, #tpu.memory_space<semaphore_mem>>)
    %add3A_128 = arith.constant 25000 : i32
    %add3A_129 = arith.addi %multiple_of3A, %add3A_128 : i32
    %dma_wait3A_130 = arith.constant 2 : i32
    %dma_wait3A_131 = arith.constant 0 : i32
    %dma_wait3A_132 = arith.constant 0 : i32
    %dma_wait3A_133 = tpu.memref_slice %arg7[%dma_wait3A_130, %dma_wait3A_131, %dma_wait3A_132] : memref<3x200x128xf32, #tpu.memory_space<vmem>> -> memref<1x200x128xf32, #tpu.memory_space<vmem>>
    %dma_wait3A_134 = tpu.memref_squeeze %dma_wait3A_133 : memref<1x200x128xf32, #tpu.memory_space<vmem>> -> memref<200x128xf32, #tpu.memory_space<vmem>>
    %dma_wait3A_135 = arith.constant 0 : i32
    %dma_wait3A_136 = tpu.memref_slice %arg5[%add3A_129, %dma_wait3A_135] : memref<819200x128xf32, #tpu.memory_space<hbm>> -> memref<200x128xf32, #tpu.memory_space<hbm>>
    %dma_wait3A_137 = arith.constant 0 : i32
    %dma_wait3A_138 = tpu.memref_slice %arg5[%add3A_129, %dma_wait3A_137] : memref<819200x128xf32, #tpu.memory_space<hbm>> -> memref<200x128xf32, #tpu.memory_space<hbm>>
    %dma_wait3A_139 = arith.constant 0 : i32
    %dma_wait3A_140 = arith.constant 0 : i32
    %dma_wait3A_141 = tpu.memref_slice %arg7[%dma_wait3A_130, %dma_wait3A_139, %dma_wait3A_140] : memref<3x200x128xf32, #tpu.memory_space<vmem>> -> memref<1x200x128xf32, #tpu.memory_space<vmem>>
    %dma_wait3A_142 = tpu.memref_squeeze %dma_wait3A_141 : memref<1x200x128xf32, #tpu.memory_space<vmem>> -> memref<200x128xf32, #tpu.memory_space<vmem>>
    tpu.wait_dma2 semaphore(%arg10 : memref<!tpu.dma_semaphore, #tpu.memory_space<semaphore_mem>>) src(%dma_wait3A_142 : memref<200x128xf32, #tpu.memory_space<vmem>>) dst(%dma_wait3A_138 : memref<200x128xf32, #tpu.memory_space<hbm>>)
    %multiple_of3A_143 = arith.constant 25400 : i32
    %multiple_of3A_144 = tpu.assume_multiple %multiple_of3A_143, 8 : i32
    %add3A_145 = arith.constant 128 : i32
    %add3A_146 = arith.addi %multiple_of3A_144, %add3A_145 : i32
    %dma_wait3A_147 = arith.constant 1 : i32
    %dma_wait3A_148 = arith.constant 0 : i32
    %dma_wait3A_149 = arith.constant 0 : i32
    %dma_wait3A_150 = tpu.memref_slice %arg7[%dma_wait3A_147, %dma_wait3A_148, %dma_wait3A_149] : memref<3x200x128xf32, #tpu.memory_space<vmem>> -> memref<1x200x128xf32, #tpu.memory_space<vmem>>
    %dma_wait3A_151 = tpu.memref_squeeze %dma_wait3A_150 : memref<1x200x128xf32, #tpu.memory_space<vmem>> -> memref<200x128xf32, #tpu.memory_space<vmem>>
    %dma_wait3A_152 = arith.constant 0 : i32
    %dma_wait3A_153 = arith.constant 0 : i32
    %dma_wait3A_154 = tpu.memref_slice %dma_wait3A_151[%dma_wait3A_152, %dma_wait3A_153] : memref<200x128xf32, #tpu.memory_space<vmem>> -> memref<128x128xf32, #tpu.memory_space<vmem>>
    %dma_wait3A_155 = tpu.memref_slice %arg6[%multiple_of3A_144] : memref<25600xi32, #tpu.memory_space<vmem>> -> memref<128xi32, #tpu.memory_space<vmem>>
    %dma_wait3A_156 = arith.constant 0 : i32
    %dma_wait3A_157 = arith.constant 0 : i32
    %dma_wait3A_158 = tpu.memref_slice %arg3[%dma_wait3A_156, %dma_wait3A_157] : memref<100000x128xf32, #tpu.memory_space<hbm>> -> memref<100000x128xf32, #tpu.memory_space<hbm>>
    tpu.wait_indirect_dma semaphore(%arg9 : memref<!tpu.dma_semaphore, #tpu.memory_space<semaphore_mem>>) src(%dma_wait3A_158 : memref<100000x128xf32, #tpu.memory_space<hbm>>) dst(%dma_wait3A_154 : memref<128x128xf32, #tpu.memory_space<vmem>>)
    %dma_wait3A_159 = arith.constant 1 : i32
    %dma_wait3A_160 = arith.constant 0 : i32
    %dma_wait3A_161 = arith.constant 0 : i32
    %dma_wait3A_162 = tpu.memref_slice %arg7[%dma_wait3A_159, %dma_wait3A_160, %dma_wait3A_161] : memref<3x200x128xf32, #tpu.memory_space<vmem>> -> memref<1x200x128xf32, #tpu.memory_space<vmem>>
    %dma_wait3A_163 = tpu.memref_squeeze %dma_wait3A_162 : memref<1x200x128xf32, #tpu.memory_space<vmem>> -> memref<200x128xf32, #tpu.memory_space<vmem>>
    %dma_wait3A_164 = arith.constant 128 : i32
    %dma_wait3A_165 = arith.constant 0 : i32
    %dma_wait3A_166 = tpu.memref_slice %dma_wait3A_163[%dma_wait3A_164, %dma_wait3A_165] : memref<200x128xf32, #tpu.memory_space<vmem>> -> memref<72x128xf32, #tpu.memory_space<vmem>>
    %dma_wait3A_167 = tpu.memref_slice %arg6[%add3A_146] : memref<25600xi32, #tpu.memory_space<vmem>> -> memref<72xi32, #tpu.memory_space<vmem>>
    %dma_wait3A_168 = arith.constant 0 : i32
    %dma_wait3A_169 = arith.constant 0 : i32
    %dma_wait3A_170 = tpu.memref_slice %arg3[%dma_wait3A_168, %dma_wait3A_169] : memref<100000x128xf32, #tpu.memory_space<hbm>> -> memref<100000x128xf32, #tpu.memory_space<hbm>>
    tpu.wait_indirect_dma semaphore(%arg9 : memref<!tpu.dma_semaphore, #tpu.memory_space<semaphore_mem>>) src(%dma_wait3A_170 : memref<100000x128xf32, #tpu.memory_space<hbm>>) dst(%dma_wait3A_166 : memref<72x128xf32, #tpu.memory_space<vmem>>)
    %scan3A_171 = arith.constant 0 : i32
    %scan3A_172 = arith.constant 0 : i32
    %scan3A_173 = arith.constant 200 : i32
    %scan3A_174 = arith.addi %scan3A_172, %scan3A_173 : i32
    %scan3A_175 = arith.constant 1 : i32
    %scan3A_176 = scf.for %scan3A_223 = %scan3A_172 to %scan3A_174 step %scan3A_175 iter_args(%scan3A_224 = %scan3A_171) -> (i32)  : i32 {
      %get3A = arith.index_cast %scan3A_223 : i32 to index
      %get3A_225 = arith.constant 0 : index
      %get3A_226 = tpu.vector_load %arg8[%get3A, %get3A_225] {strides = array<i32>} : memref<200x128xf32, #tpu.memory_space<vmem>>, vector<1x16xf32>,
      %get3A_227 = vector.shape_cast %get3A_226 : vector<1x16xf32> to vector<16xf32>
      %swap3A = arith.constant 1 : i32
      %swap3A_228 = arith.index_cast %swap3A : i32 to index
      %swap3A_229 = arith.index_cast %scan3A_223 : i32 to index
      %swap3A_230 = arith.constant 0 : index
      %swap3A_231 = tpu.vector_load %arg7[%swap3A_228, %swap3A_229, %swap3A_230] {strides = array<i32>} : memref<3x200x128xf32, #tpu.memory_space<vmem>>, vector<1x1x16xf32>,
      %swap3A_232 = vector.shape_cast %swap3A_231 : vector<1x1x16xf32> to vector<16xf32>
      %swap3A_233 = vector.shape_cast %get3A_227 : vector<16xf32> to vector<1x1x16xf32>
      tpu.vector_store %arg7[%swap3A_228, %swap3A_229, %swap3A_230], %swap3A_233 {add = true, strides = array<i32>} : memref<3x200x128xf32, #tpu.memory_space<vmem>>, vector<1x1x16xf32>,
      %get3A_234 = arith.index_cast %scan3A_223 : i32 to index
      %get3A_235 = arith.constant 16 : index
      %get3A_236 = tpu.vector_load %arg8[%get3A_234, %get3A_235] {strides = array<i32>} : memref<200x128xf32, #tpu.memory_space<vmem>>, vector<1x16xf32>,
      %get3A_237 = vector.shape_cast %get3A_236 : vector<1x16xf32> to vector<16xf32>
      %swap3A_238 = arith.constant 1 : i32
      %swap3A_239 = arith.index_cast %swap3A_238 : i32 to index
      %swap3A_240 = arith.index_cast %scan3A_223 : i32 to index
      %swap3A_241 = arith.constant 16 : index
      %swap3A_242 = tpu.vector_load %arg7[%swap3A_239, %swap3A_240, %swap3A_241] {strides = array<i32>} : memref<3x200x128xf32, #tpu.memory_space<vmem>>, vector<1x1x16xf32>,
      %swap3A_243 = vector.shape_cast %swap3A_242 : vector<1x1x16xf32> to vector<16xf32>
      %swap3A_244 = vector.shape_cast %get3A_237 : vector<16xf32> to vector<1x1x16xf32>
      tpu.vector_store %arg7[%swap3A_239, %swap3A_240, %swap3A_241], %swap3A_244 {add = true, strides = array<i32>} : memref<3x200x128xf32, #tpu.memory_space<vmem>>, vector<1x1x16xf32>,
      %get3A_245 = arith.index_cast %scan3A_223 : i32 to index
      %get3A_246 = arith.constant 32 : index
      %get3A_247 = tpu.vector_load %arg8[%get3A_245, %get3A_246] {strides = array<i32>} : memref<200x128xf32, #tpu.memory_space<vmem>>, vector<1x16xf32>,
      %get3A_248 = vector.shape_cast %get3A_247 : vector<1x16xf32> to vector<16xf32>
      %swap3A_249 = arith.constant 1 : i32
      %swap3A_250 = arith.index_cast %swap3A_249 : i32 to index
      %swap3A_251 = arith.index_cast %scan3A_223 : i32 to index
      %swap3A_252 = arith.constant 32 : index
      %swap3A_253 = tpu.vector_load %arg7[%swap3A_250, %swap3A_251, %swap3A_252] {strides = array<i32>} : memref<3x200x128xf32, #tpu.memory_space<vmem>>, vector<1x1x16xf32>,
      %swap3A_254 = vector.shape_cast %swap3A_253 : vector<1x1x16xf32> to vector<16xf32>
      %swap3A_255 = vector.shape_cast %get3A_248 : vector<16xf32> to vector<1x1x16xf32>
      tpu.vector_store %arg7[%swap3A_250, %swap3A_251, %swap3A_252], %swap3A_255 {add = true, strides = array<i32>} : memref<3x200x128xf32, #tpu.memory_space<vmem>>, vector<1x1x16xf32>,
      %get3A_256 = arith.index_cast %scan3A_223 : i32 to index
      %get3A_257 = arith.constant 48 : index
      %get3A_258 = tpu.vector_load %arg8[%get3A_256, %get3A_257] {strides = array<i32>} : memref<200x128xf32, #tpu.memory_space<vmem>>, vector<1x16xf32>,
      %get3A_259 = vector.shape_cast %get3A_258 : vector<1x16xf32> to vector<16xf32>
      %swap3A_260 = arith.constant 1 : i32
      %swap3A_261 = arith.index_cast %swap3A_260 : i32 to index
      %swap3A_262 = arith.index_cast %scan3A_223 : i32 to index
      %swap3A_263 = arith.constant 48 : index
      %swap3A_264 = tpu.vector_load %arg7[%swap3A_261, %swap3A_262, %swap3A_263] {strides = array<i32>} : memref<3x200x128xf32, #tpu.memory_space<vmem>>, vector<1x1x16xf32>,
      %swap3A_265 = vector.shape_cast %swap3A_264 : vector<1x1x16xf32> to vector<16xf32>
      %swap3A_266 = vector.shape_cast %get3A_259 : vector<16xf32> to vector<1x1x16xf32>
      tpu.vector_store %arg7[%swap3A_261, %swap3A_262, %swap3A_263], %swap3A_266 {add = true, strides = array<i32>} : memref<3x200x128xf32, #tpu.memory_space<vmem>>, vector<1x1x16xf32>,
      %get3A_267 = arith.index_cast %scan3A_223 : i32 to index
      %get3A_268 = arith.constant 64 : index
      %get3A_269 = tpu.vector_load %arg8[%get3A_267, %get3A_268] {strides = array<i32>} : memref<200x128xf32, #tpu.memory_space<vmem>>, vector<1x16xf32>,
      %get3A_270 = vector.shape_cast %get3A_269 : vector<1x16xf32> to vector<16xf32>
      %swap3A_271 = arith.constant 1 : i32
      %swap3A_272 = arith.index_cast %swap3A_271 : i32 to index
      %swap3A_273 = arith.index_cast %scan3A_223 : i32 to index
      %swap3A_274 = arith.constant 64 : index
      %swap3A_275 = tpu.vector_load %arg7[%swap3A_272, %swap3A_273, %swap3A_274] {strides = array<i32>} : memref<3x200x128xf32, #tpu.memory_space<vmem>>, vector<1x1x16xf32>,
      %swap3A_276 = vector.shape_cast %swap3A_275 : vector<1x1x16xf32> to vector<16xf32>
      %swap3A_277 = vector.shape_cast %get3A_270 : vector<16xf32> to vector<1x1x16xf32>
      tpu.vector_store %arg7[%swap3A_272, %swap3A_273, %swap3A_274], %swap3A_277 {add = true, strides = array<i32>} : memref<3x200x128xf32, #tpu.memory_space<vmem>>, vector<1x1x16xf32>,
      %get3A_278 = arith.index_cast %scan3A_223 : i32 to index
      %get3A_279 = arith.constant 80 : index
      %get3A_280 = tpu.vector_load %arg8[%get3A_278, %get3A_279] {strides = array<i32>} : memref<200x128xf32, #tpu.memory_space<vmem>>, vector<1x16xf32>,
      %get3A_281 = vector.shape_cast %get3A_280 : vector<1x16xf32> to vector<16xf32>
      %swap3A_282 = arith.constant 1 : i32
      %swap3A_283 = arith.index_cast %swap3A_282 : i32 to index
      %swap3A_284 = arith.index_cast %scan3A_223 : i32 to index
      %swap3A_285 = arith.constant 80 : index
      %swap3A_286 = tpu.vector_load %arg7[%swap3A_283, %swap3A_284, %swap3A_285] {strides = array<i32>} : memref<3x200x128xf32, #tpu.memory_space<vmem>>, vector<1x1x16xf32>,
      %swap3A_287 = vector.shape_cast %swap3A_286 : vector<1x1x16xf32> to vector<16xf32>
      %swap3A_288 = vector.shape_cast %get3A_281 : vector<16xf32> to vector<1x1x16xf32>
      tpu.vector_store %arg7[%swap3A_283, %swap3A_284, %swap3A_285], %swap3A_288 {add = true, strides = array<i32>} : memref<3x200x128xf32, #tpu.memory_space<vmem>>, vector<1x1x16xf32>,
      %get3A_289 = arith.index_cast %scan3A_223 : i32 to index
      %get3A_290 = arith.constant 96 : index
      %get3A_291 = tpu.vector_load %arg8[%get3A_289, %get3A_290] {strides = array<i32>} : memref<200x128xf32, #tpu.memory_space<vmem>>, vector<1x16xf32>,
      %get3A_292 = vector.shape_cast %get3A_291 : vector<1x16xf32> to vector<16xf32>
      %swap3A_293 = arith.constant 1 : i32
      %swap3A_294 = arith.index_cast %swap3A_293 : i32 to index
      %swap3A_295 = arith.index_cast %scan3A_223 : i32 to index
      %swap3A_296 = arith.constant 96 : index
      %swap3A_297 = tpu.vector_load %arg7[%swap3A_294, %swap3A_295, %swap3A_296] {strides = array<i32>} : memref<3x200x128xf32, #tpu.memory_space<vmem>>, vector<1x1x16xf32>,
      %swap3A_298 = vector.shape_cast %swap3A_297 : vector<1x1x16xf32> to vector<16xf32>
      %swap3A_299 = vector.shape_cast %get3A_292 : vector<16xf32> to vector<1x1x16xf32>
      tpu.vector_store %arg7[%swap3A_294, %swap3A_295, %swap3A_296], %swap3A_299 {add = true, strides = array<i32>} : memref<3x200x128xf32, #tpu.memory_space<vmem>>, vector<1x1x16xf32>,
      %get3A_300 = arith.index_cast %scan3A_223 : i32 to index
      %get3A_301 = arith.constant 112 : index
      %get3A_302 = tpu.vector_load %arg8[%get3A_300, %get3A_301] {strides = array<i32>} : memref<200x128xf32, #tpu.memory_space<vmem>>, vector<1x16xf32>,
      %get3A_303 = vector.shape_cast %get3A_302 : vector<1x16xf32> to vector<16xf32>
      %swap3A_304 = arith.constant 1 : i32
      %swap3A_305 = arith.index_cast %swap3A_304 : i32 to index
      %swap3A_306 = arith.index_cast %scan3A_223 : i32 to index
      %swap3A_307 = arith.constant 112 : index
      %swap3A_308 = tpu.vector_load %arg7[%swap3A_305, %swap3A_306, %swap3A_307] {strides = array<i32>} : memref<3x200x128xf32, #tpu.memory_space<vmem>>, vector<1x1x16xf32>,
      %swap3A_309 = vector.shape_cast %swap3A_308 : vector<1x1x16xf32> to vector<16xf32>
      %swap3A_310 = vector.shape_cast %get3A_303 : vector<16xf32> to vector<1x1x16xf32>
      tpu.vector_store %arg7[%swap3A_305, %swap3A_306, %swap3A_307], %swap3A_310 {add = true, strides = array<i32>} : memref<3x200x128xf32, #tpu.memory_space<vmem>>, vector<1x1x16xf32>,
      %scan3A_311 = arith.constant 0 : i32
      scf.yield %scan3A_311 : i32
    }
    %scan3A_177 = arith.constant 200 : i32
    %add3A_178 = arith.constant 25400 : i32
    %add3A_179 = arith.addi %multiple_of3A, %add3A_178 : i32
    %dma_start3A_180 = arith.constant 1 : i32
    %dma_start3A_181 = arith.constant 0 : i32
    %dma_start3A_182 = arith.constant 0 : i32
    %dma_start3A_183 = tpu.memref_slice %arg7[%dma_start3A_180, %dma_start3A_181, %dma_start3A_182] : memref<3x200x128xf32, #tpu.memory_space<vmem>> -> memref<1x200x128xf32, #tpu.memory_space<vmem>>
    %dma_start3A_184 = tpu.memref_squeeze %dma_start3A_183 : memref<1x200x128xf32, #tpu.memory_space<vmem>> -> memref<200x128xf32, #tpu.memory_space<vmem>>
    %dma_start3A_185 = arith.constant 0 : i32
    %dma_start3A_186 = tpu.memref_slice %arg5[%add3A_179, %dma_start3A_185] : memref<819200x128xf32, #tpu.memory_space<hbm>> -> memref<200x128xf32, #tpu.memory_space<hbm>>
    %dma_start3A_187 = arith.constant 0 : i32
    %dma_start3A_188 = tpu.memref_slice %arg5[%add3A_179, %dma_start3A_187] : memref<819200x128xf32, #tpu.memory_space<hbm>> -> memref<200x128xf32, #tpu.memory_space<hbm>>
    %dma_start3A_189 = arith.constant 0 : i32
    %dma_start3A_190 = arith.constant 0 : i32
    %dma_start3A_191 = tpu.memref_slice %arg7[%dma_start3A_180, %dma_start3A_189, %dma_start3A_190] : memref<3x200x128xf32, #tpu.memory_space<vmem>> -> memref<1x200x128xf32, #tpu.memory_space<vmem>>
    %dma_start3A_192 = tpu.memref_squeeze %dma_start3A_191 : memref<1x200x128xf32, #tpu.memory_space<vmem>> -> memref<200x128xf32, #tpu.memory_space<vmem>>
    tpu.enqueue_dma source(%dma_start3A_192 : memref<200x128xf32, #tpu.memory_space<vmem>>) target(%dma_start3A_188 : memref<200x128xf32, #tpu.memory_space<hbm>>) target_semaphore(%arg10 : memref<!tpu.dma_semaphore, #tpu.memory_space<semaphore_mem>>)
    %add3A_193 = arith.constant 25200 : i32
    %add3A_194 = arith.addi %multiple_of3A, %add3A_193 : i32
    %dma_wait3A_195 = arith.constant 0 : i32
    %dma_wait3A_196 = arith.constant 0 : i32
    %dma_wait3A_197 = arith.constant 0 : i32
    %dma_wait3A_198 = tpu.memref_slice %arg7[%dma_wait3A_195, %dma_wait3A_196, %dma_wait3A_197] : memref<3x200x128xf32, #tpu.memory_space<vmem>> -> memref<1x200x128xf32, #tpu.memory_space<vmem>>
    %dma_wait3A_199 = tpu.memref_squeeze %dma_wait3A_198 : memref<1x200x128xf32, #tpu.memory_space<vmem>> -> memref<200x128xf32, #tpu.memory_space<vmem>>
    %dma_wait3A_200 = arith.constant 0 : i32
    %dma_wait3A_201 = tpu.memref_slice %arg5[%add3A_194, %dma_wait3A_200] : memref<819200x128xf32, #tpu.memory_space<hbm>> -> memref<200x128xf32, #tpu.memory_space<hbm>>
    %dma_wait3A_202 = arith.constant 0 : i32
    %dma_wait3A_203 = tpu.memref_slice %arg5[%add3A_194, %dma_wait3A_202] : memref<819200x128xf32, #tpu.memory_space<hbm>> -> memref<200x128xf32, #tpu.memory_space<hbm>>
    %dma_wait3A_204 = arith.constant 0 : i32
    %dma_wait3A_205 = arith.constant 0 : i32
    %dma_wait3A_206 = tpu.memref_slice %arg7[%dma_wait3A_195, %dma_wait3A_204, %dma_wait3A_205] : memref<3x200x128xf32, #tpu.memory_space<vmem>> -> memref<1x200x128xf32, #tpu.memory_space<vmem>>
    %dma_wait3A_207 = tpu.memref_squeeze %dma_wait3A_206 : memref<1x200x128xf32, #tpu.memory_space<vmem>> -> memref<200x128xf32, #tpu.memory_space<vmem>>
    tpu.wait_dma2 semaphore(%arg10 : memref<!tpu.dma_semaphore, #tpu.memory_space<semaphore_mem>>) src(%dma_wait3A_207 : memref<200x128xf32, #tpu.memory_space<vmem>>) dst(%dma_wait3A_203 : memref<200x128xf32, #tpu.memory_space<hbm>>)
    %add3A_208 = arith.constant 25400 : i32
    %add3A_209 = arith.addi %multiple_of3A, %add3A_208 : i32
    %dma_wait3A_210 = arith.constant 1 : i32
    %dma_wait3A_211 = arith.constant 0 : i32
    %dma_wait3A_212 = arith.constant 0 : i32
    %dma_wait3A_213 = tpu.memref_slice %arg7[%dma_wait3A_210, %dma_wait3A_211, %dma_wait3A_212] : memref<3x200x128xf32, #tpu.memory_space<vmem>> -> memref<1x200x128xf32, #tpu.memory_space<vmem>>
    %dma_wait3A_214 = tpu.memref_squeeze %dma_wait3A_213 : memref<1x200x128xf32, #tpu.memory_space<vmem>> -> memref<200x128xf32, #tpu.memory_space<vmem>>
    %dma_wait3A_215 = arith.constant 0 : i32
    %dma_wait3A_216 = tpu.memref_slice %arg5[%add3A_209, %dma_wait3A_215] : memref<819200x128xf32, #tpu.memory_space<hbm>> -> memref<200x128xf32, #tpu.memory_space<hbm>>
    %dma_wait3A_217 = arith.constant 0 : i32
    %dma_wait3A_218 = tpu.memref_slice %arg5[%add3A_209, %dma_wait3A_217] : memref<819200x128xf32, #tpu.memory_space<hbm>> -> memref<200x128xf32, #tpu.memory_space<hbm>>
    %dma_wait3A_219 = arith.constant 0 : i32
    %dma_wait3A_220 = arith.constant 0 : i32
    %dma_wait3A_221 = tpu.memref_slice %arg7[%dma_wait3A_210, %dma_wait3A_219, %dma_wait3A_220] : memref<3x200x128xf32, #tpu.memory_space<vmem>> -> memref<1x200x128xf32, #tpu.memory_space<vmem>>
    %dma_wait3A_222 = tpu.memref_squeeze %dma_wait3A_221 : memref<1x200x128xf32, #tpu.memory_space<vmem>> -> memref<200x128xf32, #tpu.memory_space<vmem>>
    tpu.wait_dma2 semaphore(%arg10 : memref<!tpu.dma_semaphore, #tpu.memory_space<semaphore_mem>>) src(%dma_wait3A_222 : memref<200x128xf32, #tpu.memory_space<vmem>>) dst(%dma_wait3A_218 : memref<200x128xf32, #tpu.memory_space<hbm>>)
    return
  }
}

</mosaic_0001>

<sc_bundles>
// kernel: _embed.3.cloned.1.call-start
scs
__scs_entry_jumppad:
0x0: {  	(pc) =	sbr.rel $0x88, $3  }
0x1: {  	(tag) =	ssettag $0x0;
	lr =	simm.s32 $0x1  }
0x2: {  	[smem:$0x3F9E] =	sst lr;
	_ =	strace $0xD0000000  }
0x3: {  	_ = 	snop  }
0x4: {  	_ = 	snop  }
0x5: {  	_ = 	snop  }
0x6: {  	_ = 	snop  }
0x7: {  	_ = 	snop  }
__scs_overlays_trampoline_lowered:
0x8: {  	[smem:$0x3FAD] =	sst s0  }
0x9: {  	[smem:$0x3FAE] =	sst s1  }
0xa: {  	[smem:$0x3FAF] =	sst s2  }
0xb: {  	[smem:$0x3FB0] =	sst s3  }
0xc: {  	[smem:$0x3FB1] =	sst s4  }
0xd: {  	[smem:$0x3FB2] =	sst s5  }
0xe: {  	[smem:$0x3FB3] =	sst s6  }
0xf: {  	[smem:$0x3FB4] =	sst s7  }
0x10: {  	[smem:$0x3FB5] =	sst s8  }
0x11: {  	[smem:$0x3FB6] =	sst s9;
	s0 =	simm.s32 @!p0 $0x0  }
0x12: {  	s1 =	sld [smem:$0x3F9C];
	s0 =	simm.s32 @p0 $0x1  }
0x13: {  	[smem:$0x3FB7] =	sst s0;
	s0 =	simm.s32 @!p1 $0x0  }
0x14: {  	s2 =	sld [smem:$0x3F9B];
	s0 =	simm.s32 @p1 $0x1  }
0x15: {  	[smem:$0x3FB8] =	sst s0;
	s0 =	simm.s32 @!p2 $0x0  }
0x16: {  	s3 =	sld [smem:$0x3FDB];
	s0 =	simm.s32 @p2 $0x1  }
0x17: {  	s4 =	simm.s32 $0x1BF5;
	[smem:$0x3FBA] =	sst s0  }
0x18: {  	s0 =	sld [smem:$0x3F9D];
	_ =	swait.ge [sflag:s4], $0x0  }
0x19: {  	s7 =	sld [smem:$0x3F9E]  }
0x1a: {  	s8 =	sadd.s32 $0xFFFFE003, lr  }
0x1b: {  	s9 =	sadd.s32 $0xFFFFFEF7, lr;
	s5 =	simm.s32 $0xFFFFFFFF;
	p2 =	slt.u32 s8, $0xFFFFF086  }
0x1c: {  	p1 =	slt.u32 s9, $0xF7A;
	s5 =	simm.s32 @!p2 $0x0  }
0x1d: {  	s5 =	simm.s32 @p1 $0x1;
	p0 =	seq.s32 s7, s2  }
0x1e: {  	s7 =	smul.u32 @!p0 $0xF7A, s2;
	p2 =	seq.s32 @!p0 s5, $0x0  }
0x1f: {  	s9 =	smul.u32 $0xF7A, s1;
	s8 =	simm.s32 @!p0 $0x1BF5;
	p2 =	por !p2, p0  }
0x20: {  	[sflag:s8] =	ssyncset.s32 @!p0 $0xFFFFF086;
	s6 =	sadd.s32 @!p0 s3, s7;
	s7 =	simm.s32 @!p0 $0x108  }
0x21: {  	s3 =	sadd.s32 s3, s9;
	s6 =	sadd.s32 @!p0 $0x88, s6;
	s7 =	simm.s32 @p2 $0x1082  }
0x22: {  	[simem:s7], [sflag:s8] =	dma.local @!p0 [hbm:s6], $0xF7A  }
0x23: {  	s9 =	sor.u32 $0xD0000000, s2;
	s6 =	simm.s32 $0x108;
	_ =	swait.ge @!p0 [sflag:s8], $0x0  }
0x24: {  	s3 =	sadd.s32 $0x88, s3;
	s6 =	simm.s32 @!p1 $0x1082;
	[sflag:s4] =	ssyncset.s32 $0xFFFFF086  }
0x25: {  	[simem:s6], [sflag:s4] =	dma.local [hbm:s3], $0xF7A  }
0x26: {  	[smem:$0x3F9E] =	sst s1;
	(tag) =	ssettag s2;
	_ =	strace s9  }
0x27: {  	s1 =	sld [smem:$0x3FAE]  }
0x28: {  	s2 =	sld [smem:$0x3FAF]  }
0x29: {  	s4 =	sld [smem:$0x3FB1]  }
0x2a: {  	p0 =	seq.s32 s5, $0x0;
	s5 =	sld [smem:$0x3FB2]  }
0x2b: {  	s6 =	sld [smem:$0x3FB3]  }
0x2c: {  	s7 =	sld [smem:$0x3FB4]  }
0x2d: {  	s3 =	simm.s32 $0x108;
	s8 =	sld [smem:$0x3FB5]  }
0x2e: {  	s3 =	simm.s32 @!p0 $0x1082;
	s9 =	sld [smem:$0x3FB6]  }
0x2f: {  	lr =	sadd.s32 s0, s3;
	s0 =	sld [smem:$0x3FAD]  }
0x30: {  	s3 =	sld [smem:$0x3FB0]  }
0x31: {  	[smem:$0x3FB9] =	sst s10  }
0x32: {  	s10 =	sld [smem:$0x3FB7];
	_ =	sdelay $0x3  }
0x33: {  	p0 =	seq.s32 s10, $0x1;
	s10 =	sld [smem:$0x3FB9];
	_ =	sdelay $0x3  }
0x34: {  	[smem:$0x3FB9] =	sst s10  }
0x35: {  	s10 =	sld [smem:$0x3FB8];
	_ =	sdelay $0x3  }
0x36: {  	p1 =	seq.s32 s10, $0x1;
	s10 =	sld [smem:$0x3FB9];
	_ =	sdelay $0x3  }
0x37: {  	[smem:$0x3FB9] =	sst s10  }
0x38: {  	s10 =	sld [smem:$0x3FBA]  }
0x39: {  	_ = 	snop;
	(pc) =	sbr.ind lr, $3  }
0x3a: {  	_ = 	snop  }
0x3b: {  	_ = 	snop  }
0x3c: {  	p2 =	seq.s32 s10, $0x1;
	s10 =	sld [smem:$0x3FB9]  }
0x3d: {  	_ =	shalt  }
0x3e: {  	_ =	shalt  }
0x3f: {  	_ =	shalt  }
0x40: {  	_ =	shalt  }
0x41: {  	_ =	shalt  }
0x42: {  	_ =	shalt  }
0x43: {  	_ =	shalt  }
0x44: {  	_ =	shalt  }
0x45: {  	_ =	shalt  }
0x46: {  	_ =	shalt  }
0x47: {  	_ =	shalt  }
0x48: {  	_ =	shalt  }
0x49: {  	_ =	shalt  }
0x4a: {  	_ =	shalt  }
0x4b: {  	_ =	shalt  }
0x4c: {  	_ =	shalt  }
0x4d: {  	_ =	shalt  }
0x4e: {  	_ =	shalt  }
0x4f: {  	_ =	shalt  }
0x50: {  	_ =	shalt  }
0x51: {  	_ =	shalt  }
0x52: {  	_ =	shalt  }
0x53: {  	_ =	shalt  }
0x54: {  	_ =	shalt  }
0x55: {  	_ =	shalt  }
0x56: {  	_ =	shalt  }
0x57: {  	_ =	shalt  }
0x58: {  	_ =	shalt  }
0x59: {  	_ =	shalt  }
0x5a: {  	_ =	shalt  }
0x5b: {  	_ =	shalt  }
0x5c: {  	_ =	shalt  }
0x5d: {  	_ =	shalt  }
0x5e: {  	_ =	shalt  }
0x5f: {  	_ =	shalt  }
0x60: {  	_ =	shalt  }
0x61: {  	_ =	shalt  }
0x62: {  	_ =	shalt  }
0x63: {  	_ =	shalt  }
0x64: {  	_ =	shalt  }
0x65: {  	_ =	shalt  }
0x66: {  	_ =	shalt  }
0x67: {  	_ =	shalt  }
0x68: {  	_ =	shalt  }
0x69: {  	_ =	shalt  }
0x6a: {  	_ =	shalt  }
0x6b: {  	_ =	shalt  }
0x6c: {  	_ =	shalt  }
0x6d: {  	_ =	shalt  }
0x6e: {  	_ =	shalt  }
0x6f: {  	_ =	shalt  }
0x70: {  	_ =	shalt  }
0x71: {  	_ =	shalt  }
0x72: {  	_ =	shalt  }
0x73: {  	_ =	shalt  }
0x74: {  	_ =	shalt  }
0x75: {  	_ =	shalt  }
0x76: {  	_ =	shalt  }
0x77: {  	_ =	shalt  }
0x78: {  	_ =	shalt  }
0x79: {  	_ =	shalt  }
0x7a: {  	_ =	shalt  }
0x7b: {  	_ =	shalt  }
0x7c: {  	_ =	shalt  }
0x7d: {  	_ =	shalt  }
0x7e: {  	_ =	shalt  }
0x7f: {  	_ =	shalt  }
0x80: {  	_ =	shalt  }
0x81: {  	_ =	shalt  }
0x82: {  	_ =	shalt  }
0x83: {  	_ =	shalt  }
0x84: {  	_ =	shalt  }
0x85: {  	_ =	shalt  }
0x86: {  	_ =	shalt  }
0x87: {  	_ =	shalt  }
.Lfunc_end0:
.L_simem_size_0:
called_computation_lowered:
.L_overlay_start_0:
0x88: {  	s2 =	sld [smem:$0x3FD9]  }
0x89: {  	s3 =	sld [smem:$0x3FFE];
	_ =	sdelay $0x1  }
0x8a: {  	s1 =	srdreg.scid  }
0x8b: {  	s0 =	sand.u32 $0x1, s1  }
0x8c: {  	s18 =	sshll.u32 s0, $0xA;
	s2 =	sadd.s32 s3, s2  }
0x8d: {  	s2 =	sadd.s32 s2, s18  }
0x8e: {  	[smem:$0x3FC5] =	sst s2  }
0x8f: {  	_ = 	snop  }
0x90: {  	s2 =	sld [smem:$0x3FC9]  }
0x91: {  	s19 =	sld [smem:$0x3FC8]  }
0x92: {  	s4 =	sld [smem:$0x3FC7]  }
0x93: {  	s5 =	sld [smem:$0x3FD0];
	(tm) =	ssettm $0x1  }
0x94: {  	s6 =	sld [smem:$0x3FFB];
	_ =	sdelay $0x3  }
0x95: {  	_ =	strace s6  }
0x96: {  	s6 =	sld [smem:$0x3FFC];
	_ =	sdelay $0x3  }
0x97: {  	_ =	strace s6  }
0x98: {  	s6 =	sld [smem:$0x3FFD];
	_ =	sdelay $0x3  }
0x99: {  	_ =	strace s6  }
0x9a: {  	_ =	strace $0x8FFFFFFF  }
0x9b: {  	s20 =	sld [smem:$0x3FDB];
	_ =	sdelay $0x1  }
0x9c: {  	s7 =	simm.s32 $_scs_section_size  }
0x9d: {  	s8 =	simm.s32 $_size__tile_overlayer_lowered;
	s9 =	simm.s32 $_tile_overlayer_lowered  }
0x9e: {  	s23 =	simm.s32 $0x1BFF;
	s22 =	sshll.u32 s9, $0x1;
	s6 =	sadd.s32 s7, s20  }
0x9f: {  	s10 =	simm.s32 $0x0;
	s21 =	sshll.u32 s8, $0x1;
	s8 =	sadd.s32 s22, s6  }
0xa0: {  	[timem:s10], [sflag:s23] =	dma.local [hbm:s8], s21  }
0xa1: {  	_ =	swait.ge [sflag:s23], s21  }
0xa2: {  	s7 =	ssub.s32 $0x0, s21;
	[sflag:s23] =	ssyncset.done $0x0  }
0xa3: {  	[sflag:s23] =	ssyncadd.s32 s7;
	_ =	sdelay $0x1  }
0xa4: {  	s24 =	simm.s32 $0x1B8B  }
0xa5: {  	_ =	swait.ge [sflag:s24], $0x1  }
0xa6: {  	[sflag:s24] =	ssyncset.done $0x0  }
0xa7: {  	s25 =	simm.s32 $0x1B8E;
	[sflag:s24] =	ssyncadd.s32 $0xFFFFFFFF  }
0xa8: {  	s26 =	simm.s32 $execute0_lowered;
	[smem:$0x3FD2] =	sst s25  }
0xa9: {  	s7 =	sshll.u32 s26, $0x1;
	_ =	strace $0x80000046;
	[dreg:$0x1] =	wrdreg $0xFFFFFFFF  }
0xaa: {  	s28 =	simm.s32 $_size_execute0_lowered;
	s6 =	sadd.s32 s6, s7;
	[dreg:$0x0] =	wrdreg $0x0  }
0xab: {  	s7 =	sshll.u32 s28, $0x1;
	[dreg:$0x2] =	wrdreg s6  }
0xac: {  	[dreg:$0x3] =	wrdreg s7  }
0xad: {  	[dreg:$0x4] =	wrdreg $0xC0  }
0xae: {  	_ =	task [dreg:s10], $0x5FFFF  }
0xaf: {  	[dreg:$0x1] =	wrdreg $0xFFFFFFFF  }
0xb0: {  	[dreg:$0x0] =	wrdreg $0x60  }
0xb1: {  	[dreg:$0x2] =	wrdreg s2  }
0xb2: {  	[dreg:$0x3] =	wrdreg s19  }
0xb3: {  	[dreg:$0x4] =	wrdreg s4  }
0xb4: {  	[dreg:$0x5] =	wrdreg s5  }
0xb5: {  	[dreg:$0x6] =	wrdreg $0x9  }
0xb6: {  	_ =	task.clear_ibuf [dreg:s10], $0x7FFFF;
	_ =	strace $0x90000046  }
0xb7: {  	s29 =	simm.s32 $0x9;
	_ =	strace $0x80000048  }
0xb8: {  	_ =	swait.ge [sflag:s29], $0x1  }
0xb9: {  	[sflag:s29] =	ssyncadd.s32 $0xFFFFFFFF  }
0xba: {  	_ =	strace $0x90000048  }
0xbb: {  	_ =	sfence  }
0xbc: {  	s30 =	sld [smem:$0x0];
	_ =	sdelay $0x2  }
0xbd: {  	s31 =	sshll.u32 s1, $0xD;
	s1 =	sshrl.u32 s1, $0x2  }
0xbe: {  	s3 =	sand.u32 $0x4000, s31;
	s1 =	sadd.s32 s1, s30  }
0xbf: {  	s0 =	sor.u32 s3, s0;
	s1 =	sshll.u32 s1, $0x11  }
0xc0: {  	s0 =	sor.u32 s1, s0  }
0xc1: {  	s0 =	sadd.s32 $0x8F2B, s0  }
0xc2: {  	[sflag:s0] =	ssyncadd.remote.s32 $0x1  }
0xc3: {  	_ =	sfence.sel $0xFFFF  }
0xc4: {  	[dreg:$0x0] =	wrdreg $0xFFFFFFFF;
	(pc) =	sbr.abs _section_cstart, $3  }
0xc5: {  	[dreg:$0x1] =	wrdreg $0xFFFFFFFF  }
0xc6: {  	_ =	task.clear_ibuf [dreg:s10], $0x2FFFF;
	_ =	strace $0x9FFFFFFF  }
0xc7: {  	(tm) =	ssettm $0x7FFFFFFF  }
tec
execute0_lowered:
.L_overlay_start_1:
0x0: {  	(tag) =	ssettag $0x1  }
0x1: {  	s2 =	rddreg [dreg:$0x0]  }
0x2: {  	s1 =	rddreg [dreg:$0x1];
	s4 =	srdreg.scid  }
0x3: {  	s0 =	stileid.u32;
	s3 =	rddreg [dreg:$0x2];
	s12 =	simm.s32 $0x19000  }
0x4: {  	s13 =	simm.s32 $0x80;
	s14 =	simm.s32 $0x6400;
	s15 =	simm.s32 $0x48  }
0x5: {  	s16 =	simm.s32 $0xA400;
	s17 =	simm.s32 $0xC800;
	s18 =	simm.s32 $0x10800  }
0x6: {  	s19 =	simm.s32 $0x1;
	s20 =	simm.s32 $0x12C00;
	s21 =	simm.s32 $0x16C00  }
0x7: {  	s22 =	simm.s32 $0x2;
	s7 =	sand.u32 $0x1, s4;
	s5 =	sshll.u32 s0, $0x1  }
0x8: {  	s23 =	simm.s32 $0x6338;
	s24 =	simm.s32 $0x63B8;
	s8 =	sor.u32 s7, s5  }
0x9: {  	s25 =	simm.s32 $0x0;
	s5 =	simm.s32 $0x0;
	s6 =	smul.u32 $0x6400, s8  }
0xa: {  	s7 =	ssub.s32 $0x2, s7;
	[smem:$0x7FF] =	sst s5;
	s8 =	smul.u32 $0x320000, s8  }
0xb: {  	s4 =	rddreg [dreg:$0x3];
	s9 =	sshrl.u32 s7, $0x1;
	_ =	strace $0x80000047  }
0xc: {  	s11 =	ssub.s32 s7, s9;
	s10 =	sshrl.u32 s6, $0x3;
	s8 =	sshrl.u32 s8, $0x3  }
0xd: {  	s7 =	sadd.s32 s2, s10;
	s31 =	sadd.s32 s4, s8;
	s10 =	smax.u32 s11, $0x1  }
0xe: {  	s11 =	simm.s32 $0x3;
	s8 =	sadd.s32 $0x62700, s31;
	s9 =	sadd.s32 $0x63380, s31  }
.LBB2_1:
0xf: {  	[tilespmem:s5], [sflag:$0x3] =	stream.linear.gather [hbm4b:s7+s5], $0x6400, $0x38;
	[tilespmem:$0x1F400] =	vst v63  }
0x10: {  	_ =	swait.ge [sflag:s11], $0x6400  }
0x11: {  	[sflag:s11] =	ssyncset.done $0x0  }
0x12: {  	[sflag:s11] =	ssyncadd.s32 $0xFFFF9C00  }
0x13: {  	[tilespmem:s12], [sflag:$0x3] =	stream.linear.gather [hbm4b:s3+s5], $0x6400, $0x38;
	[tilespmem:$0x1F400] =	vst v63  }
0x14: {  	_ =	swait.ge [sflag:s11], $0x6400  }
0x15: {  	[sflag:s11] =	ssyncset.done $0x0  }
0x16: {  	[sflag:s11] =	ssyncadd.s32 $0xFFFF9C00  }
0x17: {  	[tilespmem:s14], [sflag:$0x1] =	stream.indirect.gather [hbm4b:s1+s13], $0x80, s5, s13, $0xb8;
	[tilespmem:$0x1F400] =	vst v63  }
0x18: {  	s26 =	simm.s32 $0x0  }
0x19: {  	[tilespmem:s16], [sflag:$0x1] =	stream.indirect.gather [hbm4b:s1+s15], $0x80, s13, s15, $0xb8;
	[tilespmem:$0x1F400] =	vst v63  }
.LBB2_2:
0x1a: {  	p0 =	seq.s32 s26, $0x0  }
0x1b: {  	s2 =	simm.s32 @!p0 $0x2  }
0x1c: {  	s28 =	smul.u32 $0x258, s26;
	_ =	swait.ge @!p0 [sflag:s2], $0x6400  }
0x1d: {  	[sflag:s2] =	ssyncset.done @!p0 $0x0  }
0x1e: {  	s29 =	sadd.s32 $0xC8, s28;
	[sflag:s2] =	ssyncadd.s32 @!p0 $0xFFFF9C00  }
0x1f: {  	[tilespmem:s17], [sflag:$0x1] =	stream.indirect.gather [hbm4b:s1+s13], $0x80, s29, s13, $0xb8;
	[tilespmem:$0x1F400] =	vst v63  }
0x20: {  	s2 =	sadd.s32 $0x148, s28  }
0x21: {  	[tilespmem:s18], [sflag:$0x1] =	stream.indirect.gather [hbm4b:s1+s15], $0x80, s2, s15, $0xb8;
	[tilespmem:$0x1F400] =	vst v63  }
0x22: {  	_ =	swait.ge [sflag:s19], $0x4000  }
0x23: {  	[sflag:s19] =	ssyncset.done $0x0  }
0x24: {  	[sflag:s19] =	ssyncadd.s32 $0xFFFFC000  }
0x25: {  	_ =	swait.ge [sflag:s19], $0x2400  }
0x26: {  	[sflag:s19] =	ssyncset.done $0x0  }
0x27: {  	s30 =	simm.s32 $0x0;
	s31 =	simm.s32 $0x200;
	[sflag:s19] =	ssyncadd.s32 $0xFFFFDC00  }
.LBB2_3:
0x28: {  	p1 =	sne.s32 s31, $0x18E00;
	v0 =	vld [tilespmem:s30+$0x19070]  }
0x29: {  	v1 =	vld [tilespmem:s30+$0x19000]  }
0x2a: {  	v2 =	vld [tilespmem:s30+$0x19010]  }
0x2b: {  	v3 =	vld [tilespmem:s30+$0x19020]  }
0x2c: {  	v4 =	vld [tilespmem:s30+$0x19030]  }
0x2d: {  	[tilespmem:s30+$0x6470] =	vst.add.f32.msk $0xffff, v0  }
0x2e: {  	v0 =	vld [tilespmem:s30+$0x19040]  }
0x2f: {  	v5 =	vld [tilespmem:s30+$0x19050]  }
0x30: {  	v6 =	vld [tilespmem:s30+$0x19060]  }
0x31: {  	[tilespmem:s30+$0x6400] =	vst.add.f32.msk $0xffff, v1  }
0x32: {  	[tilespmem:s30+$0x6410] =	vst.add.f32.msk $0xffff, v2  }
.Ltmp0:
0x33: {  	[tilespmem:s30+$0x6420] =	vst.add.f32.msk $0xffff, v3;
	(pc) =	sbr.rel @p1 .LBB2_3-.Ltmp0, $4  }
0x34: {  	[tilespmem:s30+$0x6430] =	vst.add.f32.msk $0xffff, v4  }
0x35: {  	[tilespmem:s30+$0x6440] =	vst.add.f32.msk $0xffff, v0  }
0x36: {  	[tilespmem:s30+$0x6450] =	vst.add.f32.msk $0xffff, v5  }
0x37: {  	[tilespmem:s30+$0x6460] =	vst.add.f32.msk $0xffff, v6;
	s30 =	sshra.s32 s31, $0x2;
	s31 =	sadd.s32 $0x200, s31  }
0x38: {  	v0 =	vld [tilespmem:s30+$0x19070]  }
0x39: {  	v1 =	vld [tilespmem:s30+$0x19000]  }
0x3a: {  	v2 =	vld [tilespmem:s30+$0x19010]  }
0x3b: {  	v3 =	vld [tilespmem:s30+$0x19020]  }
0x3c: {  	v4 =	vld [tilespmem:s30+$0x19030]  }
0x3d: {  	v63 =	vld [tilespmem:s30+$0x19040]  }
0x3e: {  	v5 =	vld [tilespmem:s30+$0x19050]  }
0x3f: {  	v6 =	vld [tilespmem:s30+$0x19060]  }
0x40: {  	[tilespmem:s30+$0x6470] =	vst.add.f32.msk $0xffff, v0  }
0x41: {  	[tilespmem:s30+$0x6400] =	vst.add.f32.msk $0xffff, v1  }
0x42: {  	[tilespmem:s30+$0x6410] =	vst.add.f32.msk $0xffff, v2  }
0x43: {  	[tilespmem:s30+$0x6420] =	vst.add.f32.msk $0xffff, v3  }
0x44: {  	[tilespmem:s30+$0x6430] =	vst.add.f32.msk $0xffff, v4  }
0x45: {  	s2 =	sadd.s32 s6, s28;
	[tilespmem:s30+$0x6440] =	vst.add.f32.msk $0xffff, v63  }
0x46: {  	s2 =	sshll.u32 s2, $0x4;
	[tilespmem:s30+$0x6450] =	vst.add.f32.msk $0xffff, v5  }
0x47: {  	s2 =	sadd.s32 s4, s2;
	[tilespmem:s30+$0x6460] =	vst.add.f32.msk $0xffff, v6  }
0x48: {  	[hbm4b:s2+s5] =	stream.linear.scatter [tilespmem:s14], [sflag:$0x2], $0x6400, $0x38;
	[tilespmem:$0x1F400] =	vst v63  }
0x49: {  	s2 =	simm.s32 @!p0 $0x2  }
0x4a: {  	_ =	swait.ge @!p0 [sflag:s2], $0x6400  }
0x4b: {  	[sflag:s2] =	ssyncset.done @!p0 $0x0  }
0x4c: {  	s30 =	sadd.s32 $0x190, s28;
	[sflag:s2] =	ssyncadd.s32 @!p0 $0xFFFF9C00  }
0x4d: {  	[tilespmem:s20], [sflag:$0x1] =	stream.indirect.gather [hbm4b:s1+s13], $0x80, s30, s13, $0xb8;
	[tilespmem:$0x1F400] =	vst v63  }
0x4e: {  	s2 =	sadd.s32 $0x210, s28  }
0x4f: {  	[tilespmem:s21], [sflag:$0x1] =	stream.indirect.gather [hbm4b:s1+s15], $0x80, s2, s15, $0xb8;
	[tilespmem:$0x1F400] =	vst v63  }
0x50: {  	_ =	swait.ge [sflag:s19], $0x4000  }
0x51: {  	[sflag:s19] =	ssyncset.done $0x0  }
0x52: {  	[sflag:s19] =	ssyncadd.s32 $0xFFFFC000  }
0x53: {  	_ =	swait.ge [sflag:s19], $0x2400  }
0x54: {  	[sflag:s19] =	ssyncset.done $0x0  }
0x55: {  	s31 =	simm.s32 $0x0;
	s2 =	simm.s32 $0x200;
	[sflag:s19] =	ssyncadd.s32 $0xFFFFDC00  }
.LBB2_5:
0x56: {  	p0 =	sne.s32 s2, $0x18E00;
	v0 =	vld [tilespmem:s31+$0x19070]  }
0x57: {  	v1 =	vld [tilespmem:s31+$0x19000]  }
0x58: {  	v2 =	vld [tilespmem:s31+$0x19010]  }
0x59: {  	v3 =	vld [tilespmem:s31+$0x19020]  }
0x5a: {  	v4 =	vld [tilespmem:s31+$0x19030]  }
0x5b: {  	[tilespmem:s31+$0xC870] =	vst.add.f32.msk $0xffff, v0  }
0x5c: {  	v0 =	vld [tilespmem:s31+$0x19040]  }
0x5d: {  	v5 =	vld [tilespmem:s31+$0x19050]  }
0x5e: {  	v6 =	vld [tilespmem:s31+$0x19060]  }
0x5f: {  	[tilespmem:s31+$0xC800] =	vst.add.f32.msk $0xffff, v1  }
0x60: {  	[tilespmem:s31+$0xC810] =	vst.add.f32.msk $0xffff, v2  }
.Ltmp1:
0x61: {  	[tilespmem:s31+$0xC820] =	vst.add.f32.msk $0xffff, v3;
	(pc) =	sbr.rel @p0 .LBB2_5-.Ltmp1, $4  }
0x62: {  	[tilespmem:s31+$0xC830] =	vst.add.f32.msk $0xffff, v4  }
0x63: {  	[tilespmem:s31+$0xC840] =	vst.add.f32.msk $0xffff, v0  }
0x64: {  	[tilespmem:s31+$0xC850] =	vst.add.f32.msk $0xffff, v5  }
0x65: {  	[tilespmem:s31+$0xC860] =	vst.add.f32.msk $0xffff, v6;
	s31 =	sshra.s32 s2, $0x2;
	s2 =	sadd.s32 $0x200, s2  }
0x66: {  	v0 =	vld [tilespmem:s31+$0x19070]  }
0x67: {  	v1 =	vld [tilespmem:s31+$0x19000]  }
0x68: {  	v2 =	vld [tilespmem:s31+$0x19010]  }
0x69: {  	v3 =	vld [tilespmem:s31+$0x19020]  }
0x6a: {  	v4 =	vld [tilespmem:s31+$0x19030]  }
0x6b: {  	v63 =	vld [tilespmem:s31+$0x19040]  }
0x6c: {  	v5 =	vld [tilespmem:s31+$0x19050]  }
0x6d: {  	v6 =	vld [tilespmem:s31+$0x19060]  }
0x6e: {  	[tilespmem:s31+$0xC870] =	vst.add.f32.msk $0xffff, v0  }
0x6f: {  	[tilespmem:s31+$0xC800] =	vst.add.f32.msk $0xffff, v1  }
0x70: {  	[tilespmem:s31+$0xC810] =	vst.add.f32.msk $0xffff, v2  }
0x71: {  	[tilespmem:s31+$0xC820] =	vst.add.f32.msk $0xffff, v3  }
0x72: {  	[tilespmem:s31+$0xC830] =	vst.add.f32.msk $0xffff, v4  }
0x73: {  	s2 =	sadd.s32 s6, s29;
	[tilespmem:s31+$0xC840] =	vst.add.f32.msk $0xffff, v63  }
0x74: {  	s2 =	sshll.u32 s2, $0x4;
	[tilespmem:s31+$0xC850] =	vst.add.f32.msk $0xffff, v5  }
0x75: {  	s2 =	sadd.s32 s4, s2;
	[tilespmem:s31+$0xC860] =	vst.add.f32.msk $0xffff, v6;
	s31 =	simm.s32 $0x0  }
0x76: {  	[hbm4b:s2+s31] =	stream.linear.scatter [tilespmem:s17], [sflag:$0x2], $0x6400, $0x38;
	[tilespmem:$0x1F400] =	vst v63  }
0x77: {  	_ =	swait.ge [sflag:s22], $0x6400  }
0x78: {  	[sflag:s22] =	ssyncset.done $0x0  }
0x79: {  	s29 =	sadd.s32 $0x258, s28;
	[sflag:s22] =	ssyncadd.s32 $0xFFFF9C00  }
0x7a: {  	[tilespmem:s14], [sflag:$0x1] =	stream.indirect.gather [hbm4b:s1+s13], $0x80, s29, s13, $0xb8;
	[tilespmem:$0x1F400] =	vst v63  }
0x7b: {  	s31 =	sadd.s32 $0x2D8, s28  }
0x7c: {  	[tilespmem:s16], [sflag:$0x1] =	stream.indirect.gather [hbm4b:s1+s15], $0x80, s31, s15, $0xb8;
	[tilespmem:$0x1F400] =	vst v63  }
0x7d: {  	_ =	swait.ge [sflag:s19], $0x4000  }
0x7e: {  	[sflag:s19] =	ssyncset.done $0x0  }
0x7f: {  	[sflag:s19] =	ssyncadd.s32 $0xFFFFC000  }
0x80: {  	_ =	swait.ge [sflag:s19], $0x2400  }
0x81: {  	[sflag:s19] =	ssyncset.done $0x0  }
0x82: {  	s28 =	simm.s32 $0x0;
	s2 =	simm.s32 $0x200;
	[sflag:s19] =	ssyncadd.s32 $0xFFFFDC00  }
.LBB2_7:
0x83: {  	p0 =	sne.s32 s2, $0x18E00;
	v0 =	vld [tilespmem:s28+$0x19070]  }
0x84: {  	v1 =	vld [tilespmem:s28+$0x19000]  }
0x85: {  	v2 =	vld [tilespmem:s28+$0x19010]  }
0x86: {  	v3 =	vld [tilespmem:s28+$0x19020]  }
0x87: {  	v4 =	vld [tilespmem:s28+$0x19030]  }
0x88: {  	[tilespmem:s28+$0x12C70] =	vst.add.f32.msk $0xffff, v0  }
0x89: {  	v0 =	vld [tilespmem:s28+$0x19040]  }
0x8a: {  	v5 =	vld [tilespmem:s28+$0x19050]  }
0x8b: {  	v6 =	vld [tilespmem:s28+$0x19060]  }
0x8c: {  	[tilespmem:s28+$0x12C00] =	vst.add.f32.msk $0xffff, v1  }
0x8d: {  	[tilespmem:s28+$0x12C10] =	vst.add.f32.msk $0xffff, v2  }
.Ltmp2:
0x8e: {  	[tilespmem:s28+$0x12C20] =	vst.add.f32.msk $0xffff, v3;
	(pc) =	sbr.rel @p0 .LBB2_7-.Ltmp2, $4  }
0x8f: {  	[tilespmem:s28+$0x12C30] =	vst.add.f32.msk $0xffff, v4  }
0x90: {  	[tilespmem:s28+$0x12C40] =	vst.add.f32.msk $0xffff, v0  }
0x91: {  	[tilespmem:s28+$0x12C50] =	vst.add.f32.msk $0xffff, v5  }
0x92: {  	[tilespmem:s28+$0x12C60] =	vst.add.f32.msk $0xffff, v6;
	s28 =	sshra.s32 s2, $0x2;
	s2 =	sadd.s32 $0x200, s2  }
0x93: {  	v0 =	vld [tilespmem:s28+$0x19070]  }
0x94: {  	v1 =	vld [tilespmem:s28+$0x19000]  }
0x95: {  	v2 =	vld [tilespmem:s28+$0x19010]  }
0x96: {  	v3 =	vld [tilespmem:s28+$0x19020]  }
0x97: {  	v4 =	vld [tilespmem:s28+$0x19030]  }
0x98: {  	v63 =	vld [tilespmem:s28+$0x19040]  }
0x99: {  	v5 =	vld [tilespmem:s28+$0x19050]  }
0x9a: {  	v6 =	vld [tilespmem:s28+$0x19060]  }
0x9b: {  	[tilespmem:s28+$0x12C70] =	vst.add.f32.msk $0xffff, v0  }
0x9c: {  	[tilespmem:s28+$0x12C00] =	vst.add.f32.msk $0xffff, v1  }
0x9d: {  	s26 =	sadd.s32 $0x1, s26;
	[tilespmem:s28+$0x12C10] =	vst.add.f32.msk $0xffff, v2  }
0x9e: {  	p0 =	sne.s32 s26, $0x2A;
	[tilespmem:s28+$0x12C20] =	vst.add.f32.msk $0xffff, v3  }
.Ltmp3:
0x9f: {  	[tilespmem:s28+$0x12C30] =	vst.add.f32.msk $0xffff, v4;
	(pc) =	sbr.rel @p0 .LBB2_2-.Ltmp3, $4  }
0xa0: {  	s2 =	sadd.s32 s6, s30;
	[tilespmem:s28+$0x12C40] =	vst.add.f32.msk $0xffff, v63  }
0xa1: {  	s2 =	sshll.u32 s2, $0x4;
	[tilespmem:s28+$0x12C50] =	vst.add.f32.msk $0xffff, v5  }
0xa2: {  	s2 =	sadd.s32 s4, s2;
	[tilespmem:s28+$0x12C60] =	vst.add.f32.msk $0xffff, v6  }
0xa3: {  	[hbm4b:s2+s5] =	stream.linear.scatter [tilespmem:s20], [sflag:$0x2], $0x6400, $0x38;
	[tilespmem:$0x1F400] =	vst v63  }
0xa4: {  	_ =	swait.ge [sflag:s22], $0x6400  }
0xa5: {  	[sflag:s22] =	ssyncset.done $0x0  }
0xa6: {  	[sflag:s22] =	ssyncadd.s32 $0xFFFF9C00  }
0xa7: {  	[tilespmem:s17], [sflag:$0x1] =	stream.indirect.gather [hbm4b:s1+s13], $0x80, s23, s13, $0xb8;
	[tilespmem:$0x1F400] =	vst v63  }
0xa8: {  	_ = 	snop  }
0xa9: {  	[tilespmem:s18], [sflag:$0x1] =	stream.indirect.gather [hbm4b:s1+s15], $0x80, s24, s15, $0xb8;
	[tilespmem:$0x1F400] =	vst v63  }
0xaa: {  	_ =	swait.ge [sflag:s19], $0x4000  }
0xab: {  	[sflag:s19] =	ssyncset.done $0x0  }
0xac: {  	[sflag:s19] =	ssyncadd.s32 $0xFFFFC000  }
0xad: {  	_ =	swait.ge [sflag:s19], $0x2400  }
0xae: {  	[sflag:s19] =	ssyncset.done $0x0  }
0xaf: {  	s26 =	simm.s32 $0x0;
	s2 =	simm.s32 $0x200;
	[sflag:s19] =	ssyncadd.s32 $0xFFFFDC00  }
.LBB2_10:
0xb0: {  	p0 =	sne.s32 s2, $0x18E00;
	v0 =	vld [tilespmem:s26+$0x19070]  }
0xb1: {  	v1 =	vld [tilespmem:s26+$0x19000]  }
0xb2: {  	v2 =	vld [tilespmem:s26+$0x19010]  }
0xb3: {  	v3 =	vld [tilespmem:s26+$0x19020]  }
0xb4: {  	v4 =	vld [tilespmem:s26+$0x19030]  }
0xb5: {  	[tilespmem:s26+$0x6470] =	vst.add.f32.msk $0xffff, v0  }
0xb6: {  	v0 =	vld [tilespmem:s26+$0x19040]  }
0xb7: {  	v5 =	vld [tilespmem:s26+$0x19050]  }
0xb8: {  	v6 =	vld [tilespmem:s26+$0x19060]  }
0xb9: {  	[tilespmem:s26+$0x6400] =	vst.add.f32.msk $0xffff, v1  }
0xba: {  	[tilespmem:s26+$0x6410] =	vst.add.f32.msk $0xffff, v2  }
.Ltmp4:
0xbb: {  	[tilespmem:s26+$0x6420] =	vst.add.f32.msk $0xffff, v3;
	(pc) =	sbr.rel @p0 .LBB2_10-.Ltmp4, $4  }
0xbc: {  	[tilespmem:s26+$0x6430] =	vst.add.f32.msk $0xffff, v4  }
0xbd: {  	[tilespmem:s26+$0x6440] =	vst.add.f32.msk $0xffff, v0  }
0xbe: {  	[tilespmem:s26+$0x6450] =	vst.add.f32.msk $0xffff, v5  }
0xbf: {  	[tilespmem:s26+$0x6460] =	vst.add.f32.msk $0xffff, v6;
	s26 =	sshra.s32 s2, $0x2;
	s2 =	sadd.s32 $0x200, s2  }
0xc0: {  	v0 =	vld [tilespmem:s26+$0x19070]  }
0xc1: {  	v1 =	vld [tilespmem:s26+$0x19000]  }
0xc2: {  	v2 =	vld [tilespmem:s26+$0x19010]  }
0xc3: {  	v3 =	vld [tilespmem:s26+$0x19020]  }
0xc4: {  	v4 =	vld [tilespmem:s26+$0x19030]  }
0xc5: {  	v63 =	vld [tilespmem:s26+$0x19040]  }
0xc6: {  	v5 =	vld [tilespmem:s26+$0x19050]  }
0xc7: {  	v6 =	vld [tilespmem:s26+$0x19060]  }
0xc8: {  	[tilespmem:s26+$0x6470] =	vst.add.f32.msk $0xffff, v0  }
0xc9: {  	[tilespmem:s26+$0x6400] =	vst.add.f32.msk $0xffff, v1  }
0xca: {  	[tilespmem:s26+$0x6410] =	vst.add.f32.msk $0xffff, v2  }
0xcb: {  	[tilespmem:s26+$0x6420] =	vst.add.f32.msk $0xffff, v3  }
0xcc: {  	[tilespmem:s26+$0x6430] =	vst.add.f32.msk $0xffff, v4  }
0xcd: {  	[tilespmem:s26+$0x6440] =	vst.add.f32.msk $0xffff, v63  }
0xce: {  	[tilespmem:s26+$0x6450] =	vst.add.f32.msk $0xffff, v5  }
0xcf: {  	s2 =	simm.s32 $0x0;
	[tilespmem:s26+$0x6460] =	vst.add.f32.msk $0xffff, v6  }
0xd0: {  	[hbm4b:s8+s2] =	stream.linear.scatter [tilespmem:s14], [sflag:$0x2], $0x6400, $0x38;
	[tilespmem:$0x1F400] =	vst v63  }
0xd1: {  	_ =	swait.ge [sflag:s22], $0x6400  }
0xd2: {  	[sflag:s22] =	ssyncset.done $0x0  }
0xd3: {  	[sflag:s22] =	ssyncadd.s32 $0xFFFF9C00  }
0xd4: {  	_ =	swait.ge [sflag:s19], $0x4000  }
0xd5: {  	[sflag:s19] =	ssyncset.done $0x0  }
0xd6: {  	[sflag:s19] =	ssyncadd.s32 $0xFFFFC000  }
0xd7: {  	_ =	swait.ge [sflag:s19], $0x2400  }
0xd8: {  	[sflag:s19] =	ssyncset.done $0x0  }
0xd9: {  	s26 =	simm.s32 $0x0;
	s2 =	simm.s32 $0x200;
	[sflag:s19] =	ssyncadd.s32 $0xFFFFDC00  }
.LBB2_12:
0xda: {  	p0 =	sne.s32 s2, $0x18E00;
	v0 =	vld [tilespmem:s26+$0x19070]  }
0xdb: {  	v1 =	vld [tilespmem:s26+$0x19000]  }
0xdc: {  	v2 =	vld [tilespmem:s26+$0x19010]  }
0xdd: {  	v3 =	vld [tilespmem:s26+$0x19020]  }
0xde: {  	v4 =	vld [tilespmem:s26+$0x19030]  }
0xdf: {  	[tilespmem:s26+$0xC870] =	vst.add.f32.msk $0xffff, v0  }
0xe0: {  	v0 =	vld [tilespmem:s26+$0x19040]  }
0xe1: {  	v5 =	vld [tilespmem:s26+$0x19050]  }
0xe2: {  	v6 =	vld [tilespmem:s26+$0x19060]  }
0xe3: {  	[tilespmem:s26+$0xC800] =	vst.add.f32.msk $0xffff, v1  }
0xe4: {  	[tilespmem:s26+$0xC810] =	vst.add.f32.msk $0xffff, v2  }
.Ltmp5:
0xe5: {  	[tilespmem:s26+$0xC820] =	vst.add.f32.msk $0xffff, v3;
	(pc) =	sbr.rel @p0 .LBB2_12-.Ltmp5, $4  }
0xe6: {  	[tilespmem:s26+$0xC830] =	vst.add.f32.msk $0xffff, v4  }
0xe7: {  	[tilespmem:s26+$0xC840] =	vst.add.f32.msk $0xffff, v0  }
0xe8: {  	[tilespmem:s26+$0xC850] =	vst.add.f32.msk $0xffff, v5  }
0xe9: {  	[tilespmem:s26+$0xC860] =	vst.add.f32.msk $0xffff, v6;
	s26 =	sshra.s32 s2, $0x2;
	s2 =	sadd.s32 $0x200, s2  }
0xea: {  	v0 =	vld [tilespmem:s26+$0x19070]  }
0xeb: {  	v1 =	vld [tilespmem:s26+$0x19000]  }
0xec: {  	v2 =	vld [tilespmem:s26+$0x19010]  }
0xed: {  	v3 =	vld [tilespmem:s26+$0x19020]  }
0xee: {  	v4 =	vld [tilespmem:s26+$0x19030]  }
0xef: {  	v63 =	vld [tilespmem:s26+$0x19040]  }
0xf0: {  	v5 =	vld [tilespmem:s26+$0x19050]  }
0xf1: {  	v6 =	vld [tilespmem:s26+$0x19060]  }
0xf2: {  	[tilespmem:s26+$0xC870] =	vst.add.f32.msk $0xffff, v0  }
0xf3: {  	[tilespmem:s26+$0xC800] =	vst.add.f32.msk $0xffff, v1  }
0xf4: {  	[tilespmem:s26+$0xC810] =	vst.add.f32.msk $0xffff, v2  }
0xf5: {  	[tilespmem:s26+$0xC820] =	vst.add.f32.msk $0xffff, v3  }
0xf6: {  	[tilespmem:s26+$0xC830] =	vst.add.f32.msk $0xffff, v4  }
0xf7: {  	[tilespmem:s26+$0xC840] =	vst.add.f32.msk $0xffff, v63  }
0xf8: {  	[tilespmem:s26+$0xC850] =	vst.add.f32.msk $0xffff, v5  }
0xf9: {  	s25 =	sadd.s32 $0x1, s25;
	[tilespmem:s26+$0xC860] =	vst.add.f32.msk $0xffff, v6  }
0xfa: {  	[hbm4b:s9+s5] =	stream.linear.scatter [tilespmem:s17], [sflag:$0x2], $0x6400, $0x38;
	[tilespmem:$0x1F400] =	vst v63  }
0xfb: {  	p0 =	sne.s32 s25, s10;
	_ =	swait.ge [sflag:s22], $0x6400  }
.Ltmp6:
0xfc: {  	[sflag:s22] =	ssyncset.done $0x0;
	(pc) =	sbr.rel @p0 .LBB2_1-.Ltmp6, $4  }
0xfd: {  	[sflag:s22] =	ssyncadd.s32 $0xFFFF9C00  }
0xfe: {  	_ =	swait.ge [sflag:s22], $0x6400  }
0xff: {  	[sflag:s22] =	ssyncset.done $0x0  }
0x100: {  	[sflag:s22] =	ssyncadd.s32 $0xFFFF9C00  }
0x101: {  	_ =	sfence.sel $0x180000  }
0x102: {  	[bflag:$0x0] =	sbarrier.arrive $0xFFFF  }
0x103: {  	_ =	strace $0x90000047  }
0x104: {  	[bflag:$0x2] =	sbarrier.arrive $0xFFFF  }
0x105: {  	p0 =	sne.s32 s0, $0x0;
	s0 =	rddreg [dreg:$0x4]  }
0x106: {  	s0 =	sadd.s32 @!p0 $0x100000, s0  }
0x107: {  	[sflag:s0] =	ssyncadd.tile.s32 @!p0 $0x1;
	_ =	shalt  }
.Lfunc_end2:
_tile_overlayer_lowered:
.L_overlay_start_2:
0x108: {  	(tag) =	ssettag $0x2  }
0x109: {  	s0 =	rddreg [dreg:$0x0];
	s2 =	stileid.u32  }
0x10a: {  	s1 =	rddreg [dreg:$0x1];
	p0 =	sne.s32 s2, $0x0  }
0x10b: {  	s3 =	rddreg [dreg:$0x2];
	[bflag:$0x3] =	sbarrier.arrive $0xFFFF;
	s2 =	simm.s32 @!p0 $0x1C03  }
0x10c: {  	[timem:s3], [sflag:s2] =	dma.local @!p0 [hbm:s0], s1  }
0x10d: {  	s0 =	simm.s32 @!p0 $0x3  }
0x10e: {  	_ =	swait.ge @!p0 [sflag:s0], s1  }
0x10f: {  	s1 =	ssub.s32 @!p0 $0x0, s1;
	[sflag:s0] =	ssyncset.done @!p0 $0x0  }
0x110: {  	[sflag:s0] =	ssyncadd.s32 @!p0 s1  }
0x111: {  	[bflag:$0x3] =	sbarrier.arrive $0xFFFF  }
0x112: {  	_ =	shalt  }

</sc_bundles>
